<compile_context>
chip_gen: v7x
topology: tpu7x:2x2x1
jax: 0.10.2.dev20260603
libtpu: 0.0.44.dev20260713+nightly
codegen_flags: <defaults>
</compile_context>

<pallas_src>
import functools

import jax
import jax.numpy as jnp
from jax import lax
from jax.experimental import pallas as pl
from jax.experimental.pallas import tpu as pltpu
from jax.experimental.pallas import tpu_sc as plsc

_SENT_PER_CHUNK = 4
_L = 16


def _emb_lookup(flat_ids, t128, b, s, v, d):
    n = b * s
    info = plsc.get_sparse_core_info()
    nw = info.num_cores * info.num_subcores
    n_per_w = n // nw
    c = _SENT_PER_CHUNK * s
    n_ch = n_per_w // c
    n_pairs = n_ch // 2
    pack = 128 // d
    n_grp = (c + _L - 1) // _L
    c_pad = n_grp * _L
    mesh = plsc.VectorSubcoreMesh(core_axis_name="c", subcore_axis_name="s")

    @functools.partial(
        pl.kernel,
        mesh=mesh,
        out_type=jax.ShapeDtypeStruct((b, s, d), jnp.float32),
        scratch_types=[
            pltpu.VMEM((n_per_w,), jnp.int32),
            pltpu.VMEM((c,), jnp.int32),
            pltpu.VMEM((c,), jnp.int32),
            pltpu.VMEM((c, 128), jnp.float32),
            pltpu.VMEM((c, 128), jnp.float32),
            pltpu.VMEM((c, d), jnp.float32),
            pltpu.VMEM((c, d), jnp.float32),
            pltpu.SemaphoreType.DMA,
            pltpu.SemaphoreType.DMA,
            pltpu.SemaphoreType.DMA,
            pltpu.SemaphoreType.DMA,
        ],
        compiler_params=pltpu.CompilerParams(needs_layout_passes=False),
    )
    def k(idx_hbm, tab_hbm, out_hbm, idx_v, i4a, i4b, ga, gb, oa, ob,
          gsa, gsb, wsa, wsb):
        wid = lax.axis_index("s") * info.num_cores + lax.axis_index("c")
        base = wid * n_per_w
        sbase = base // s
        pltpu.sync_copy(idx_hbm.at[pl.ds(base, n_per_w)], idx_v)
        iota = lax.iota(jnp.int32, _L)

        def prep_idx4(g, i4):
            def grp(m, carry):
                iv = idx_v[pl.ds(g * c + m * _L, _L)]
                i4[pl.ds(m * _L, _L)] = lax.shift_right_logical(iv, 2)
                return carry

            lax.fori_loop(0, n_grp - 1, grp, 0)
            iv = idx_v[pl.ds(g * c + (c - _L), _L)]
            i4[pl.ds(c - _L, _L)] = lax.shift_right_logical(iv, 2)

        def start_gather(i4, gbuf, sem):
            pltpu.async_copy(tab_hbm.at[i4], gbuf, sem)

        def wait_gather(i4, gbuf, sem):
            pltpu.make_async_copy(tab_hbm.at[i4], gbuf, sem).wait()

        def extract(g, gbuf, obuf):
            def do_token_at(cols, tok0, t):
                tok = tok0 + t
                for h in range(d // _L):
                    obuf[tok, pl.ds(h * _L, _L)] = (
                        gbuf[tok, pl.ds(cols[t] + h * _L, _L)])

            def grp(m, carry):
                iv = idx_v[pl.ds(g * c + m * _L, _L)]
                cols = lax.shift_left(jnp.bitwise_and(iv, pack - 1),
                                      jnp.int32(5))
                for t in range(_L):
                    do_token_at(cols, m * _L, t)
                return carry

            lax.fori_loop(0, n_grp - 1, grp, 0)
            iv = idx_v[pl.ds(g * c + (c - _L), _L)]
            cols = lax.shift_left(jnp.bitwise_and(iv, pack - 1),
                                  jnp.int32(5))
            for t in range(_L - (c_pad - c), _L):
                do_token_at(cols, c - _L, t)

        def start_wb(g, obuf, sem):
            off = pl.multiple_of(sbase + g * _SENT_PER_CHUNK, _SENT_PER_CHUNK)
            pltpu.async_copy(obuf.reshape(_SENT_PER_CHUNK, s, d),
                             out_hbm.at[pl.ds(off, _SENT_PER_CHUNK)], sem)

        def wait_wb(g, obuf, sem):
            off = pl.multiple_of(sbase + g * _SENT_PER_CHUNK, _SENT_PER_CHUNK)
            pltpu.make_async_copy(
                obuf.reshape(_SENT_PER_CHUNK, s, d),
                out_hbm.at[pl.ds(off, _SENT_PER_CHUNK)], sem).wait()

        prep_idx4(0, i4a)
        start_gather(i4a, ga, gsa)
        prep_idx4(1, i4b)
        start_gather(i4b, gb, gsb)

        def pair(p, carry):
            g0 = 2 * p
            wait_gather(i4a, ga, gsa)

            @pl.when(p > 0)
            def _():
                wait_wb(g0 - 2, oa, wsa)

            extract(g0, ga, oa)
            start_wb(g0, oa, wsa)

            wait_gather(i4b, gb, gsb)

            @pl.when(p < n_pairs - 1)
            def _():
                prep_idx4(g0 + 2, i4a)
                start_gather(i4a, ga, gsa)

            @pl.when(p > 0)
            def _():
                wait_wb(g0 - 1, ob, wsb)

            extract(g0 + 1, gb, ob)

            @pl.when(p < n_pairs - 1)
            def _():
                prep_idx4(g0 + 3, i4b)
                start_gather(i4b, gb, gsb)

            start_wb(g0 + 1, ob, wsb)
            return carry

        lax.fori_loop(0, n_pairs, pair, 0)
        wait_wb(n_ch - 2, oa, wsa)
        wait_wb(n_ch - 1, ob, wsb)

    return k(flat_ids, t128)


def kernel(token_ids, embeddings):
    b, s = token_ids.shape
    v, d = embeddings.shape
    flat = token_ids.reshape(-1).astype(jnp.int32)
    t128 = embeddings.reshape(v * d // 128, 128)
    return _emb_lookup(flat, t128, b, s, v, d)

# --- scband reference (transcript-rebuilt; emitter-appended) ---
"""Pipeline reference for scband-embedding-12446815224594 (READ-ONLY COPY).

The authoritative reference and input builder live on the scoring server;
editing this copy changes nothing except your own understanding.
"""

import jax, jax.numpy as jnp
import numpy as np

NUM_EMBEDDINGS = 1000000
EMBEDDING_DIM = 32

def setup_inputs(seed: int = 0) -> dict:
    key = jax.random.key(seed)
    k_idx, k_emb = jax.random.split(key)
    token_ids = jax.random.randint(k_idx, (16384, 50), 0, NUM_EMBEDDINGS, dtype=jnp.int64 if jax.config.jax_enable_x64 else jnp.int32)
    # trunc_normal_(mean=0, std=1, a=-3, b=3)
    embeddings = jax.random.truncated_normal(k_emb, -3.0, 3.0, (NUM_EMBEDDINGS, EMBEDDING_DIM), dtype=jnp.float32)
    return {"token_ids": token_ids, "embeddings": embeddings}

def reference(token_ids, embeddings):
    # Faithful translation of: self.embeddings[token_ids]
    return jnp.take(embeddings, token_ids, axis=0)

if __name__ == "__main__":
    import jax
    _d = setup_inputs()
    print(jax.jit(kernel)(*tuple(_d.values())))

</pallas_src>

<mosaic_0001>
#map = affine_map<(d0, d1) -> (0)>
#map1 = affine_map<(d0, d1) -> (0, 0)>
#map2 = affine_map<(d0, d1) -> (0, 0, 0)>
module attributes {stable_mosaic.version = 14 : i64} {
  func.func @k(%arg0: i32, %arg1: i32, %arg2: memref<819200xi32, #tpu.memory_space<hbm>>, %arg3: memref<250000x128xf32, #tpu.memory_space<hbm>>, %arg4: memref<16384x50x32xf32, #tpu.memory_space<hbm>>, %arg5: memref<25600xi32, #tpu.memory_space<vmem>>, %arg6: memref<200xi32, #tpu.memory_space<vmem>>, %arg7: memref<200xi32, #tpu.memory_space<vmem>>, %arg8: memref<200x128xf32, #tpu.memory_space<vmem>>, %arg9: memref<200x128xf32, #tpu.memory_space<vmem>>, %arg10: memref<200x32xf32, #tpu.memory_space<vmem>>, %arg11: memref<200x32xf32, #tpu.memory_space<vmem>>, %arg12: memref<!tpu.dma_semaphore, #tpu.memory_space<semaphore_mem>>, %arg13: memref<!tpu.dma_semaphore, #tpu.memory_space<semaphore_mem>>, %arg14: memref<!tpu.dma_semaphore, #tpu.memory_space<semaphore_mem>>, %arg15: memref<!tpu.dma_semaphore, #tpu.memory_space<semaphore_mem>>) attributes {dimension_semantics = [#tpu.dimension_semantics<core_parallel>, #tpu.dimension_semantics<subcore_parallel>], iteration_bounds = array<i64: 2, 16>, scalar_prefetch = 0 : i64, scratch_operands = 11 : i64, tpu.core_type = #tpu.core_type<sc_vector_subcore>, window_params = [{transform_indices = #map}, {transform_indices = #map1}, {transform_indices = #map2}]} {
    %mul3A = arith.constant 2 : i32
    %mul3A_0 = arith.muli %arg1, %mul3A : i32
    %add3A = arith.addi %mul3A_0, %arg0 : i32
    %mul3A_1 = arith.constant 25600 : i32
    %mul3A_2 = arith.muli %add3A, %mul3A_1 : i32
    %jit3A = arith.constant 50 : i32
    %div3A = arith.divsi %mul3A_2, %jit3A : i32
    %sign3A = arith.constant 0 : i32
    %sign3A_3 = arith.cmpi sgt, %mul3A_2, %sign3A : i32
    %sign3A_4 = arith.extui %sign3A_3 : i1 to i32
    %sign3A_5 = arith.constant 0 : i32
    %sign3A_6 = arith.cmpi slt, %mul3A_2, %sign3A_5 : i32
    %sign3A_7 = arith.extui %sign3A_6 : i1 to i32
    %sign3A_8 = arith.subi %sign3A_4, %sign3A_7 : i32
    %sign3A_9 = arith.constant 0 : i32
    %sign3A_10 = arith.cmpi sgt, %jit3A, %sign3A_9 : i32
    %sign3A_11 = arith.extui %sign3A_10 : i1 to i32
    %sign3A_12 = arith.constant 0 : i32
    %sign3A_13 = arith.cmpi slt, %jit3A, %sign3A_12 : i32
    %sign3A_14 = arith.extui %sign3A_13 : i1 to i32
    %sign3A_15 = arith.subi %sign3A_11, %sign3A_14 : i32
    %ne3A = arith.cmpi ne, %sign3A_8, %sign3A_15 : i32
    %rem3A = arith.remsi %mul3A_2, %jit3A : i32
    %ne3A_16 = arith.constant 0 : i32
    %ne3A_17 = arith.cmpi ne, %rem3A, %ne3A_16 : i32
    %and3A = arith.andi %ne3A, %ne3A_17 : i1
    %sub3A = arith.constant 1 : i32
    %sub3A_18 = arith.subi %div3A, %sub3A : i32
    %select_n3A = arith.select %and3A, %sub3A_18, %div3A : i32
    "tpu.region"() ({
      %run_scoped3A = tpu.sem_alloc : memref<!tpu.dma_semaphore, #tpu.memory_space<semaphore_mem>>
      %dma_start3A_72 = tpu.memref_slice %arg2[%mul3A_2] : memref<819200xi32, #tpu.memory_space<hbm>> -> memref<25600xi32, #tpu.memory_space<hbm>>
      %dma_start3A_73 = tpu.memref_slice %arg2[%mul3A_2] : memref<819200xi32, #tpu.memory_space<hbm>> -> memref<25600xi32, #tpu.memory_space<hbm>>
      tpu.enqueue_dma source(%dma_start3A_73 : memref<25600xi32, #tpu.memory_space<hbm>>) target(%arg5 : memref<25600xi32, #tpu.memory_space<vmem>>) target_semaphore(%run_scoped3A : memref<!tpu.dma_semaphore, #tpu.memory_space<semaphore_mem>>)
      %dma_wait3A_74 = tpu.memref_slice %arg2[%mul3A_2] : memref<819200xi32, #tpu.memory_space<hbm>> -> memref<25600xi32, #tpu.memory_space<hbm>>
      %dma_wait3A_75 = tpu.memref_slice %arg2[%mul3A_2] : memref<819200xi32, #tpu.memory_space<hbm>> -> memref<25600xi32, #tpu.memory_space<hbm>>
      tpu.wait_dma2 semaphore(%run_scoped3A : memref<!tpu.dma_semaphore, #tpu.memory_space<semaphore_mem>>) src(%dma_wait3A_75 : memref<25600xi32, #tpu.memory_space<hbm>>) dst(%arg5 : memref<25600xi32, #tpu.memory_space<vmem>>)
      tpu.yield
    }) : () -> ()
    %iota3A = tpu.iota {dimensions = array<i32: 0>} : vector<16xi32>
    %scan3A = arith.constant 0 : i32
    %scan3A_19 = arith.constant 0 : i32
    %scan3A_20 = arith.constant 12 : i32
    %scan3A_21 = arith.addi %scan3A_19, %scan3A_20 : i32
    %scan3A_22 = arith.constant 1 : i32
    scf.for %scan3A_72 = %scan3A_19 to %scan3A_21 step %scan3A_22  : i32 {
      %mul3A_73 = arith.constant 16 : i32
      %mul3A_74 = arith.muli %scan3A_72, %mul3A_73 : i32
      %add3A_75 = arith.constant 0 : i32
      %add3A_76 = arith.addi %add3A_75, %mul3A_74 : i32
      %get3A_77 = arith.index_cast %add3A_76 : i32 to index
      %get3A_78 = tpu.vector_load %arg5[%get3A_77] {strides = array<i32>} : memref<25600xi32, #tpu.memory_space<vmem>>, vector<16xi32>,
      %shift_right_logical3A_79 = arith.constant 2 : i32
      %shift_right_logical3A_80 = vector.broadcast %shift_right_logical3A_79 : i32 to vector<16xi32>
      %shift_right_logical3A_81 = arith.shrui %get3A_78, %shift_right_logical3A_80 : vector<16xi32>
      %mul3A_82 = arith.constant 16 : i32
      %mul3A_83 = arith.muli %scan3A_72, %mul3A_82 : i32
      %swap3A_84 = arith.index_cast %mul3A_83 : i32 to index
      %swap3A_85 = tpu.vector_load %arg6[%swap3A_84] {strides = array<i32>} : memref<200xi32, #tpu.memory_space<vmem>>, vector<16xi32>,
      tpu.vector_store %arg6[%swap3A_84], %shift_right_logical3A_81 {strides = array<i32>} : memref<200xi32, #tpu.memory_space<vmem>>, vector<16xi32>,
    }
    %scan3A_23 = arith.constant 12 : i32
    %get3A = arith.constant 184 : index
    %get3A_24 = tpu.vector_load %arg5[%get3A] {strides = array<i32>} : memref<25600xi32, #tpu.memory_space<vmem>>, vector<16xi32>,
    %shift_right_logical3A = arith.constant 2 : i32
    %shift_right_logical3A_25 = vector.broadcast %shift_right_logical3A : i32 to vector<16xi32>
    %shift_right_logical3A_26 = arith.shrui %get3A_24, %shift_right_logical3A_25 : vector<16xi32>
    %swap3A = arith.constant 184 : index
    %swap3A_27 = tpu.vector_load %arg6[%swap3A] {strides = array<i32>} : memref<200xi32, #tpu.memory_space<vmem>>, vector<16xi32>,
    tpu.vector_store %arg6[%swap3A], %shift_right_logical3A_26 {strides = array<i32>} : memref<200xi32, #tpu.memory_space<vmem>>, vector<16xi32>,
    %dma_start3A = arith.constant 0 : i32
    %dma_start3A_28 = arith.constant 0 : i32
    %dma_start3A_29 = tpu.memref_slice %arg3[%dma_start3A, %dma_start3A_28] : memref<250000x128xf32, #tpu.memory_space<hbm>> -> memref<250000x128xf32, #tpu.memory_space<hbm>>
    tpu.enqueue_indirect_dma source(%dma_start3A_29 : memref<250000x128xf32, #tpu.memory_space<hbm>>) target(%arg8 : memref<200x128xf32, #tpu.memory_space<vmem>>) offsets(%arg6 : memref<200xi32, #tpu.memory_space<vmem>>) semaphore(%arg12 : memref<!tpu.dma_semaphore, #tpu.memory_space<semaphore_mem>>)
    %scan3A_30 = arith.constant 0 : i32
    %scan3A_31 = arith.constant 0 : i32
    %scan3A_32 = arith.constant 12 : i32
    %scan3A_33 = arith.addi %scan3A_31, %scan3A_32 : i32
    %scan3A_34 = arith.constant 1 : i32
    scf.for %scan3A_72 = %scan3A_31 to %scan3A_33 step %scan3A_34  : i32 {
      %mul3A_73 = arith.constant 16 : i32
      %mul3A_74 = arith.muli %scan3A_72, %mul3A_73 : i32
      %add3A_75 = arith.constant 200 : i32
      %add3A_76 = arith.addi %add3A_75, %mul3A_74 : i32
      %get3A_77 = arith.index_cast %add3A_76 : i32 to index
      %get3A_78 = tpu.vector_load %arg5[%get3A_77] {strides = array<i32>} : memref<25600xi32, #tpu.memory_space<vmem>>, vector<16xi32>,
      %shift_right_logical3A_79 = arith.constant 2 : i32
      %shift_right_logical3A_80 = vector.broadcast %shift_right_logical3A_79 : i32 to vector<16xi32>
      %shift_right_logical3A_81 = arith.shrui %get3A_78, %shift_right_logical3A_80 : vector<16xi32>
      %mul3A_82 = arith.constant 16 : i32
      %mul3A_83 = arith.muli %scan3A_72, %mul3A_82 : i32
      %swap3A_84 = arith.index_cast %mul3A_83 : i32 to index
      %swap3A_85 = tpu.vector_load %arg7[%swap3A_84] {strides = array<i32>} : memref<200xi32, #tpu.memory_space<vmem>>, vector<16xi32>,
      tpu.vector_store %arg7[%swap3A_84], %shift_right_logical3A_81 {strides = array<i32>} : memref<200xi32, #tpu.memory_space<vmem>>, vector<16xi32>,
    }
    %scan3A_35 = arith.constant 12 : i32
    %get3A_36 = arith.constant 384 : index
    %get3A_37 = tpu.vector_load %arg5[%get3A_36] {strides = array<i32>} : memref<25600xi32, #tpu.memory_space<vmem>>, vector<16xi32>,
    %shift_right_logical3A_38 = arith.constant 2 : i32
    %shift_right_logical3A_39 = vector.broadcast %shift_right_logical3A_38 : i32 to vector<16xi32>
    %shift_right_logical3A_40 = arith.shrui %get3A_37, %shift_right_logical3A_39 : vector<16xi32>
    %swap3A_41 = arith.constant 184 : index
    %swap3A_42 = tpu.vector_load %arg7[%swap3A_41] {strides = array<i32>} : memref<200xi32, #tpu.memory_space<vmem>>, vector<16xi32>,
    tpu.vector_store %arg7[%swap3A_41], %shift_right_logical3A_40 {strides = array<i32>} : memref<200xi32, #tpu.memory_space<vmem>>, vector<16xi32>,
    %dma_start3A_43 = arith.constant 0 : i32
    %dma_start3A_44 = arith.constant 0 : i32
    %dma_start3A_45 = tpu.memref_slice %arg3[%dma_start3A_43, %dma_start3A_44] : memref<250000x128xf32, #tpu.memory_space<hbm>> -> memref<250000x128xf32, #tpu.memory_space<hbm>>
    tpu.enqueue_indirect_dma source(%dma_start3A_45 : memref<250000x128xf32, #tpu.memory_space<hbm>>) target(%arg9 : memref<200x128xf32, #tpu.memory_space<vmem>>) offsets(%arg7 : memref<200xi32, #tpu.memory_space<vmem>>) semaphore(%arg13 : memref<!tpu.dma_semaphore, #tpu.memory_space<semaphore_mem>>)
    %scan3A_46 = arith.constant 0 : i32
    %scan3A_47 = arith.constant 0 : i32
    %scan3A_48 = arith.constant 64 : i32
    %scan3A_49 = arith.addi %scan3A_47, %scan3A_48 : i32
    %scan3A_50 = arith.constant 1 : i32
    scf.for %scan3A_72 = %scan3A_47 to %scan3A_49 step %scan3A_50  : i32 {
      %mul3A_73 = arith.constant 2 : i32
      %mul3A_74 = arith.muli %mul3A_73, %scan3A_72 : i32
      %dma_wait3A_75 = arith.constant 0 : i32
      %dma_wait3A_76 = arith.constant 0 : i32
      %dma_wait3A_77 = tpu.memref_slice %arg3[%dma_wait3A_75, %dma_wait3A_76] : memref<250000x128xf32, #tpu.memory_space<hbm>> -> memref<250000x128xf32, #tpu.memory_space<hbm>>
      tpu.wait_indirect_dma semaphore(%arg12 : memref<!tpu.dma_semaphore, #tpu.memory_space<semaphore_mem>>) src(%dma_wait3A_77 : memref<250000x128xf32, #tpu.memory_space<hbm>>) dst(%arg8 : memref<200x128xf32, #tpu.memory_space<vmem>>)
      %gt3A = arith.constant 0 : i32
      %gt3A_78 = arith.cmpi sgt, %scan3A_72, %gt3A : i32
      %convert_element_type3A = arith.extui %gt3A_78 : i1 to i32
      %cond3A = arith.constant 0 : i32
      %cond3A_79 = arith.cmpi ne, %convert_element_type3A, %cond3A : i32
      scf.if %cond3A_79 {
        %sub3A_542 = arith.constant 2 : i32
        %sub3A_543 = arith.subi %mul3A_74, %sub3A_542 : i32
        %mul3A_544 = arith.constant 4 : i32
        %mul3A_545 = arith.muli %sub3A_543, %mul3A_544 : i32
        %add3A_546 = arith.addi %select_n3A, %mul3A_545 : i32
        %multiple_of3A_547 = tpu.assume_multiple %add3A_546, 4 : i32
        %dma_wait3A_548 = tpu.memref_reshape %arg10 : memref<200x32xf32, #tpu.memory_space<vmem>> -> memref<4x50x32xf32, #tpu.memory_space<vmem>>
        %dma_wait3A_549 = arith.constant 0 : i32
        %dma_wait3A_550 = arith.constant 0 : i32
        %dma_wait3A_551 = tpu.memref_slice %arg4[%multiple_of3A_547, %dma_wait3A_549, %dma_wait3A_550] : memref<16384x50x32xf32, #tpu.memory_space<hbm>> -> memref<4x50x32xf32, #tpu.memory_space<hbm>>
        %dma_wait3A_552 = arith.constant 0 : i32
        %dma_wait3A_553 = arith.constant 0 : i32
        %dma_wait3A_554 = tpu.memref_slice %arg4[%multiple_of3A_547, %dma_wait3A_552, %dma_wait3A_553] : memref<16384x50x32xf32, #tpu.memory_space<hbm>> -> memref<4x50x32xf32, #tpu.memory_space<hbm>>
        %dma_wait3A_555 = tpu.memref_reshape %arg10 : memref<200x32xf32, #tpu.memory_space<vmem>> -> memref<4x50x32xf32, #tpu.memory_space<vmem>>
        tpu.wait_dma2 semaphore(%arg14 : memref<!tpu.dma_semaphore, #tpu.memory_space<semaphore_mem>>) src(%dma_wait3A_555 : memref<4x50x32xf32, #tpu.memory_space<vmem>>) dst(%dma_wait3A_554 : memref<4x50x32xf32, #tpu.memory_space<hbm>>)
      } else {
      }
      %scan3A_80 = arith.constant 0 : i32
      %scan3A_81 = arith.constant 0 : i32
      %scan3A_82 = arith.constant 12 : i32
      %scan3A_83 = arith.addi %scan3A_81, %scan3A_82 : i32
      %scan3A_84 = arith.constant 1 : i32
      scf.for %scan3A_542 = %scan3A_81 to %scan3A_83 step %scan3A_84  : i32 {
        %mul3A_543 = arith.constant 200 : i32
        %mul3A_544 = arith.muli %mul3A_74, %mul3A_543 : i32
        %mul3A_545 = arith.constant 16 : i32
        %mul3A_546 = arith.muli %scan3A_542, %mul3A_545 : i32
        %add3A_547 = arith.addi %mul3A_544, %mul3A_546 : i32
        %get3A_548 = arith.index_cast %add3A_547 : i32 to index
        %get3A_549 = tpu.vector_load %arg5[%get3A_548] {strides = array<i32>} : memref<25600xi32, #tpu.memory_space<vmem>>, vector<16xi32>,
        %and3A_550 = arith.constant 3 : i32
        %and3A_551 = vector.broadcast %and3A_550 : i32 to vector<16xi32>
        %and3A_552 = arith.andi %get3A_549, %and3A_551 : vector<16xi32>
        %shift_left3A_553 = arith.constant 5 : i32
        %shift_left3A_554 = vector.broadcast %shift_left3A_553 : i32 to vector<16xi32>
        %shift_left3A_555 = arith.shli %and3A_552, %shift_left3A_554 : vector<16xi32>
        %mul3A_556 = arith.constant 16 : i32
        %mul3A_557 = arith.muli %scan3A_542, %mul3A_556 : i32
        %add3A_558 = arith.constant 0 : i32
        %add3A_559 = arith.addi %mul3A_557, %add3A_558 : i32
        %slice3A_560 = vector.extract_strided_slice %shift_left3A_555 {offsets = [0], sizes = [1], strides = [1]} : vector<16xi32> to vector<1xi32>
        %squeeze3A_561 = vector.extract %slice3A_560[0] : i32 from vector<1xi32>
        %add3A_562 = arith.constant 0 : i32
        %add3A_563 = arith.addi %squeeze3A_561, %add3A_562 : i32
        %get3A_564 = arith.index_cast %add3A_559 : i32 to index
        %get3A_565 = arith.index_cast %add3A_563 : i32 to index
        %get3A_566 = tpu.vector_load %arg8[%get3A_564, %get3A_565] {strides = array<i32>} : memref<200x128xf32, #tpu.memory_space<vmem>>, vector<16xf32>,
        %swap3A_567 = arith.index_cast %add3A_559 : i32 to index
        %swap3A_568 = arith.constant 0 : index
        %swap3A_569 = tpu.vector_load %arg10[%swap3A_567, %swap3A_568] {strides = array<i32>} : memref<200x32xf32, #tpu.memory_space<vmem>>, vector<16xf32>,
        tpu.vector_store %arg10[%swap3A_567, %swap3A_568], %get3A_566 {strides = array<i32>} : memref<200x32xf32, #tpu.memory_space<vmem>>, vector<16xf32>,
        %slice3A_570 = vector.extract_strided_slice %shift_left3A_555 {offsets = [0], sizes = [1], strides = [1]} : vector<16xi32> to vector<1xi32>
        %squeeze3A_571 = vector.extract %slice3A_570[0] : i32 from vector<1xi32>
        %add3A_572 = arith.constant 16 : i32
        %add3A_573 = arith.addi %squeeze3A_571, %add3A_572 : i32
        %get3A_574 = arith.index_cast %add3A_559 : i32 to index
        %get3A_575 = arith.index_cast %add3A_573 : i32 to index
        %get3A_576 = tpu.vector_load %arg8[%get3A_574, %get3A_575] {strides = array<i32>} : memref<200x128xf32, #tpu.memory_space<vmem>>, vector<16xf32>,
        %swap3A_577 = arith.index_cast %add3A_559 : i32 to index
        %swap3A_578 = arith.constant 16 : index
        %swap3A_579 = tpu.vector_load %arg10[%swap3A_577, %swap3A_578] {strides = array<i32>} : memref<200x32xf32, #tpu.memory_space<vmem>>, vector<16xf32>,
        tpu.vector_store %arg10[%swap3A_577, %swap3A_578], %get3A_576 {strides = array<i32>} : memref<200x32xf32, #tpu.memory_space<vmem>>, vector<16xf32>,
        %mul3A_580 = arith.constant 16 : i32
        %mul3A_581 = arith.muli %scan3A_542, %mul3A_580 : i32
        %add3A_582 = arith.constant 1 : i32
        %add3A_583 = arith.addi %mul3A_581, %add3A_582 : i32
        %slice3A_584 = vector.extract_strided_slice %shift_left3A_555 {offsets = [1], sizes = [1], strides = [1]} : vector<16xi32> to vector<1xi32>
        %squeeze3A_585 = vector.extract %slice3A_584[0] : i32 from vector<1xi32>
        %add3A_586 = arith.constant 0 : i32
        %add3A_587 = arith.addi %squeeze3A_585, %add3A_586 : i32
        %get3A_588 = arith.index_cast %add3A_583 : i32 to index
        %get3A_589 = arith.index_cast %add3A_587 : i32 to index
        %get3A_590 = tpu.vector_load %arg8[%get3A_588, %get3A_589] {strides = array<i32>} : memref<200x128xf32, #tpu.memory_space<vmem>>, vector<16xf32>,
        %swap3A_591 = arith.index_cast %add3A_583 : i32 to index
        %swap3A_592 = arith.constant 0 : index
        %swap3A_593 = tpu.vector_load %arg10[%swap3A_591, %swap3A_592] {strides = array<i32>} : memref<200x32xf32, #tpu.memory_space<vmem>>, vector<16xf32>,
        tpu.vector_store %arg10[%swap3A_591, %swap3A_592], %get3A_590 {strides = array<i32>} : memref<200x32xf32, #tpu.memory_space<vmem>>, vector<16xf32>,
        %slice3A_594 = vector.extract_strided_slice %shift_left3A_555 {offsets = [1], sizes = [1], strides = [1]} : vector<16xi32> to vector<1xi32>
        %squeeze3A_595 = vector.extract %slice3A_594[0] : i32 from vector<1xi32>
        %add3A_596 = arith.constant 16 : i32
        %add3A_597 = arith.addi %squeeze3A_595, %add3A_596 : i32
        %get3A_598 = arith.index_cast %add3A_583 : i32 to index
        %get3A_599 = arith.index_cast %add3A_597 : i32 to index
        %get3A_600 = tpu.vector_load %arg8[%get3A_598, %get3A_599] {strides = array<i32>} : memref<200x128xf32, #tpu.memory_space<vmem>>, vector<16xf32>,
        %swap3A_601 = arith.index_cast %add3A_583 : i32 to index
        %swap3A_602 = arith.constant 16 : index
        %swap3A_603 = tpu.vector_load %arg10[%swap3A_601, %swap3A_602] {strides = array<i32>} : memref<200x32xf32, #tpu.memory_space<vmem>>, vector<16xf32>,
        tpu.vector_store %arg10[%swap3A_601, %swap3A_602], %get3A_600 {strides = array<i32>} : memref<200x32xf32, #tpu.memory_space<vmem>>, vector<16xf32>,
        %mul3A_604 = arith.constant 16 : i32
        %mul3A_605 = arith.muli %scan3A_542, %mul3A_604 : i32
        %add3A_606 = arith.constant 2 : i32
        %add3A_607 = arith.addi %mul3A_605, %add3A_606 : i32
        %slice3A_608 = vector.extract_strided_slice %shift_left3A_555 {offsets = [2], sizes = [1], strides = [1]} : vector<16xi32> to vector<1xi32>
        %squeeze3A_609 = vector.extract %slice3A_608[0] : i32 from vector<1xi32>
        %add3A_610 = arith.constant 0 : i32
        %add3A_611 = arith.addi %squeeze3A_609, %add3A_610 : i32
        %get3A_612 = arith.index_cast %add3A_607 : i32 to index
        %get3A_613 = arith.index_cast %add3A_611 : i32 to index
        %get3A_614 = tpu.vector_load %arg8[%get3A_612, %get3A_613] {strides = array<i32>} : memref<200x128xf32, #tpu.memory_space<vmem>>, vector<16xf32>,
        %swap3A_615 = arith.index_cast %add3A_607 : i32 to index
        %swap3A_616 = arith.constant 0 : index
        %swap3A_617 = tpu.vector_load %arg10[%swap3A_615, %swap3A_616] {strides = array<i32>} : memref<200x32xf32, #tpu.memory_space<vmem>>, vector<16xf32>,
        tpu.vector_store %arg10[%swap3A_615, %swap3A_616], %get3A_614 {strides = array<i32>} : memref<200x32xf32, #tpu.memory_space<vmem>>, vector<16xf32>,
        %slice3A_618 = vector.extract_strided_slice %shift_left3A_555 {offsets = [2], sizes = [1], strides = [1]} : vector<16xi32> to vector<1xi32>
        %squeeze3A_619 = vector.extract %slice3A_618[0] : i32 from vector<1xi32>
        %add3A_620 = arith.constant 16 : i32
        %add3A_621 = arith.addi %squeeze3A_619, %add3A_620 : i32
        %get3A_622 = arith.index_cast %add3A_607 : i32 to index
        %get3A_623 = arith.index_cast %add3A_621 : i32 to index
        %get3A_624 = tpu.vector_load %arg8[%get3A_622, %get3A_623] {strides = array<i32>} : memref<200x128xf32, #tpu.memory_space<vmem>>, vector<16xf32>,
        %swap3A_625 = arith.index_cast %add3A_607 : i32 to index
        %swap3A_626 = arith.constant 16 : index
        %swap3A_627 = tpu.vector_load %arg10[%swap3A_625, %swap3A_626] {strides = array<i32>} : memref<200x32xf32, #tpu.memory_space<vmem>>, vector<16xf32>,
        tpu.vector_store %arg10[%swap3A_625, %swap3A_626], %get3A_624 {strides = array<i32>} : memref<200x32xf32, #tpu.memory_space<vmem>>, vector<16xf32>,
        %mul3A_628 = arith.constant 16 : i32
        %mul3A_629 = arith.muli %scan3A_542, %mul3A_628 : i32
        %add3A_630 = arith.constant 3 : i32
        %add3A_631 = arith.addi %mul3A_629, %add3A_630 : i32
        %slice3A_632 = vector.extract_strided_slice %shift_left3A_555 {offsets = [3], sizes = [1], strides = [1]} : vector<16xi32> to vector<1xi32>
        %squeeze3A_633 = vector.extract %slice3A_632[0] : i32 from vector<1xi32>
        %add3A_634 = arith.constant 0 : i32
        %add3A_635 = arith.addi %squeeze3A_633, %add3A_634 : i32
        %get3A_636 = arith.index_cast %add3A_631 : i32 to index
        %get3A_637 = arith.index_cast %add3A_635 : i32 to index
        %get3A_638 = tpu.vector_load %arg8[%get3A_636, %get3A_637] {strides = array<i32>} : memref<200x128xf32, #tpu.memory_space<vmem>>, vector<16xf32>,
        %swap3A_639 = arith.index_cast %add3A_631 : i32 to index
        %swap3A_640 = arith.constant 0 : index
        %swap3A_641 = tpu.vector_load %arg10[%swap3A_639, %swap3A_640] {strides = array<i32>} : memref<200x32xf32, #tpu.memory_space<vmem>>, vector<16xf32>,
        tpu.vector_store %arg10[%swap3A_639, %swap3A_640], %get3A_638 {strides = array<i32>} : memref<200x32xf32, #tpu.memory_space<vmem>>, vector<16xf32>,
        %slice3A_642 = vector.extract_strided_slice %shift_left3A_555 {offsets = [3], sizes = [1], strides = [1]} : vector<16xi32> to vector<1xi32>
        %squeeze3A_643 = vector.extract %slice3A_642[0] : i32 from vector<1xi32>
        %add3A_644 = arith.constant 16 : i32
        %add3A_645 = arith.addi %squeeze3A_643, %add3A_644 : i32
        %get3A_646 = arith.index_cast %add3A_631 : i32 to index
        %get3A_647 = arith.index_cast %add3A_645 : i32 to index
        %get3A_648 = tpu.vector_load %arg8[%get3A_646, %get3A_647] {strides = array<i32>} : memref<200x128xf32, #tpu.memory_space<vmem>>, vector<16xf32>,
        %swap3A_649 = arith.index_cast %add3A_631 : i32 to index
        %swap3A_650 = arith.constant 16 : index
        %swap3A_651 = tpu.vector_load %arg10[%swap3A_649, %swap3A_650] {strides = array<i32>} : memref<200x32xf32, #tpu.memory_space<vmem>>, vector<16xf32>,
        tpu.vector_store %arg10[%swap3A_649, %swap3A_650], %get3A_648 {strides = array<i32>} : memref<200x32xf32, #tpu.memory_space<vmem>>, vector<16xf32>,
        %mul3A_652 = arith.constant 16 : i32
        %mul3A_653 = arith.muli %scan3A_542, %mul3A_652 : i32
        %add3A_654 = arith.constant 4 : i32
        %add3A_655 = arith.addi %mul3A_653, %add3A_654 : i32
        %slice3A_656 = vector.extract_strided_slice %shift_left3A_555 {offsets = [4], sizes = [1], strides = [1]} : vector<16xi32> to vector<1xi32>
        %squeeze3A_657 = vector.extract %slice3A_656[0] : i32 from vector<1xi32>
        %add3A_658 = arith.constant 0 : i32
        %add3A_659 = arith.addi %squeeze3A_657, %add3A_658 : i32
        %get3A_660 = arith.index_cast %add3A_655 : i32 to index
        %get3A_661 = arith.index_cast %add3A_659 : i32 to index
        %get3A_662 = tpu.vector_load %arg8[%get3A_660, %get3A_661] {strides = array<i32>} : memref<200x128xf32, #tpu.memory_space<vmem>>, vector<16xf32>,
        %swap3A_663 = arith.index_cast %add3A_655 : i32 to index
        %swap3A_664 = arith.constant 0 : index
        %swap3A_665 = tpu.vector_load %arg10[%swap3A_663, %swap3A_664] {strides = array<i32>} : memref<200x32xf32, #tpu.memory_space<vmem>>, vector<16xf32>,
        tpu.vector_store %arg10[%swap3A_663, %swap3A_664], %get3A_662 {strides = array<i32>} : memref<200x32xf32, #tpu.memory_space<vmem>>, vector<16xf32>,
        %slice3A_666 = vector.extract_strided_slice %shift_left3A_555 {offsets = [4], sizes = [1], strides = [1]} : vector<16xi32> to vector<1xi32>
        %squeeze3A_667 = vector.extract %slice3A_666[0] : i32 from vector<1xi32>
        %add3A_668 = arith.constant 16 : i32
        %add3A_669 = arith.addi %squeeze3A_667, %add3A_668 : i32
        %get3A_670 = arith.index_cast %add3A_655 : i32 to index
        %get3A_671 = arith.index_cast %add3A_669 : i32 to index
        %get3A_672 = tpu.vector_load %arg8[%get3A_670, %get3A_671] {strides = array<i32>} : memref<200x128xf32, #tpu.memory_space<vmem>>, vector<16xf32>,
        %swap3A_673 = arith.index_cast %add3A_655 : i32 to index
        %swap3A_674 = arith.constant 16 : index
        %swap3A_675 = tpu.vector_load %arg10[%swap3A_673, %swap3A_674] {strides = array<i32>} : memref<200x32xf32, #tpu.memory_space<vmem>>, vector<16xf32>,
        tpu.vector_store %arg10[%swap3A_673, %swap3A_674], %get3A_672 {strides = array<i32>} : memref<200x32xf32, #tpu.memory_space<vmem>>, vector<16xf32>,
        %mul3A_676 = arith.constant 16 : i32
        %mul3A_677 = arith.muli %scan3A_542, %mul3A_676 : i32
        %add3A_678 = arith.constant 5 : i32
        %add3A_679 = arith.addi %mul3A_677, %add3A_678 : i32
        %slice3A_680 = vector.extract_strided_slice %shift_left3A_555 {offsets = [5], sizes = [1], strides = [1]} : vector<16xi32> to vector<1xi32>
        %squeeze3A_681 = vector.extract %slice3A_680[0] : i32 from vector<1xi32>
        %add3A_682 = arith.constant 0 : i32
        %add3A_683 = arith.addi %squeeze3A_681, %add3A_682 : i32
        %get3A_684 = arith.index_cast %add3A_679 : i32 to index
        %get3A_685 = arith.index_cast %add3A_683 : i32 to index
        %get3A_686 = tpu.vector_load %arg8[%get3A_684, %get3A_685] {strides = array<i32>} : memref<200x128xf32, #tpu.memory_space<vmem>>, vector<16xf32>,
        %swap3A_687 = arith.index_cast %add3A_679 : i32 to index
        %swap3A_688 = arith.constant 0 : index
        %swap3A_689 = tpu.vector_load %arg10[%swap3A_687, %swap3A_688] {strides = array<i32>} : memref<200x32xf32, #tpu.memory_space<vmem>>, vector<16xf32>,
        tpu.vector_store %arg10[%swap3A_687, %swap3A_688], %get3A_686 {strides = array<i32>} : memref<200x32xf32, #tpu.memory_space<vmem>>, vector<16xf32>,
        %slice3A_690 = vector.extract_strided_slice %shift_left3A_555 {offsets = [5], sizes = [1], strides = [1]} : vector<16xi32> to vector<1xi32>
        %squeeze3A_691 = vector.extract %slice3A_690[0] : i32 from vector<1xi32>
        %add3A_692 = arith.constant 16 : i32
        %add3A_693 = arith.addi %squeeze3A_691, %add3A_692 : i32
        %get3A_694 = arith.index_cast %add3A_679 : i32 to index
        %get3A_695 = arith.index_cast %add3A_693 : i32 to index
        %get3A_696 = tpu.vector_load %arg8[%get3A_694, %get3A_695] {strides = array<i32>} : memref<200x128xf32, #tpu.memory_space<vmem>>, vector<16xf32>,
        %swap3A_697 = arith.index_cast %add3A_679 : i32 to index
        %swap3A_698 = arith.constant 16 : index
        %swap3A_699 = tpu.vector_load %arg10[%swap3A_697, %swap3A_698] {strides = array<i32>} : memref<200x32xf32, #tpu.memory_space<vmem>>, vector<16xf32>,
        tpu.vector_store %arg10[%swap3A_697, %swap3A_698], %get3A_696 {strides = array<i32>} : memref<200x32xf32, #tpu.memory_space<vmem>>, vector<16xf32>,
        %mul3A_700 = arith.constant 16 : i32
        %mul3A_701 = arith.muli %scan3A_542, %mul3A_700 : i32
        %add3A_702 = arith.constant 6 : i32
        %add3A_703 = arith.addi %mul3A_701, %add3A_702 : i32
        %slice3A_704 = vector.extract_strided_slice %shift_left3A_555 {offsets = [6], sizes = [1], strides = [1]} : vector<16xi32> to vector<1xi32>
        %squeeze3A_705 = vector.extract %slice3A_704[0] : i32 from vector<1xi32>
        %add3A_706 = arith.constant 0 : i32
        %add3A_707 = arith.addi %squeeze3A_705, %add3A_706 : i32
        %get3A_708 = arith.index_cast %add3A_703 : i32 to index
        %get3A_709 = arith.index_cast %add3A_707 : i32 to index
        %get3A_710 = tpu.vector_load %arg8[%get3A_708, %get3A_709] {strides = array<i32>} : memref<200x128xf32, #tpu.memory_space<vmem>>, vector<16xf32>,
        %swap3A_711 = arith.index_cast %add3A_703 : i32 to index
        %swap3A_712 = arith.constant 0 : index
        %swap3A_713 = tpu.vector_load %arg10[%swap3A_711, %swap3A_712] {strides = array<i32>} : memref<200x32xf32, #tpu.memory_space<vmem>>, vector<16xf32>,
        tpu.vector_store %arg10[%swap3A_711, %swap3A_712], %get3A_710 {strides = array<i32>} : memref<200x32xf32, #tpu.memory_space<vmem>>, vector<16xf32>,
        %slice3A_714 = vector.extract_strided_slice %shift_left3A_555 {offsets = [6], sizes = [1], strides = [1]} : vector<16xi32> to vector<1xi32>
        %squeeze3A_715 = vector.extract %slice3A_714[0] : i32 from vector<1xi32>
        %add3A_716 = arith.constant 16 : i32
        %add3A_717 = arith.addi %squeeze3A_715, %add3A_716 : i32
        %get3A_718 = arith.index_cast %add3A_703 : i32 to index
        %get3A_719 = arith.index_cast %add3A_717 : i32 to index
        %get3A_720 = tpu.vector_load %arg8[%get3A_718, %get3A_719] {strides = array<i32>} : memref<200x128xf32, #tpu.memory_space<vmem>>, vector<16xf32>,
        %swap3A_721 = arith.index_cast %add3A_703 : i32 to index
        %swap3A_722 = arith.constant 16 : index
        %swap3A_723 = tpu.vector_load %arg10[%swap3A_721, %swap3A_722] {strides = array<i32>} : memref<200x32xf32, #tpu.memory_space<vmem>>, vector<16xf32>,
        tpu.vector_store %arg10[%swap3A_721, %swap3A_722], %get3A_720 {strides = array<i32>} : memref<200x32xf32, #tpu.memory_space<vmem>>, vector<16xf32>,
        %mul3A_724 = arith.constant 16 : i32
        %mul3A_725 = arith.muli %scan3A_542, %mul3A_724 : i32
        %add3A_726 = arith.constant 7 : i32
        %add3A_727 = arith.addi %mul3A_725, %add3A_726 : i32
        %slice3A_728 = vector.extract_strided_slice %shift_left3A_555 {offsets = [7], sizes = [1], strides = [1]} : vector<16xi32> to vector<1xi32>
        %squeeze3A_729 = vector.extract %slice3A_728[0] : i32 from vector<1xi32>
        %add3A_730 = arith.constant 0 : i32
        %add3A_731 = arith.addi %squeeze3A_729, %add3A_730 : i32
        %get3A_732 = arith.index_cast %add3A_727 : i32 to index
        %get3A_733 = arith.index_cast %add3A_731 : i32 to index
        %get3A_734 = tpu.vector_load %arg8[%get3A_732, %get3A_733] {strides = array<i32>} : memref<200x128xf32, #tpu.memory_space<vmem>>, vector<16xf32>,
        %swap3A_735 = arith.index_cast %add3A_727 : i32 to index
        %swap3A_736 = arith.constant 0 : index
        %swap3A_737 = tpu.vector_load %arg10[%swap3A_735, %swap3A_736] {strides = array<i32>} : memref<200x32xf32, #tpu.memory_space<vmem>>, vector<16xf32>,
        tpu.vector_store %arg10[%swap3A_735, %swap3A_736], %get3A_734 {strides = array<i32>} : memref<200x32xf32, #tpu.memory_space<vmem>>, vector<16xf32>,
        %slice3A_738 = vector.extract_strided_slice %shift_left3A_555 {offsets = [7], sizes = [1], strides = [1]} : vector<16xi32> to vector<1xi32>
        %squeeze3A_739 = vector.extract %slice3A_738[0] : i32 from vector<1xi32>
        %add3A_740 = arith.constant 16 : i32
        %add3A_741 = arith.addi %squeeze3A_739, %add3A_740 : i32
        %get3A_742 = arith.index_cast %add3A_727 : i32 to index
        %get3A_743 = arith.index_cast %add3A_741 : i32 to index
        %get3A_744 = tpu.vector_load %arg8[%get3A_742, %get3A_743] {strides = array<i32>} : memref<200x128xf32, #tpu.memory_space<vmem>>, vector<16xf32>,
        %swap3A_745 = arith.index_cast %add3A_727 : i32 to index
        %swap3A_746 = arith.constant 16 : index
        %swap3A_747 = tpu.vector_load %arg10[%swap3A_745, %swap3A_746] {strides = array<i32>} : memref<200x32xf32, #tpu.memory_space<vmem>>, vector<16xf32>,
        tpu.vector_store %arg10[%swap3A_745, %swap3A_746], %get3A_744 {strides = array<i32>} : memref<200x32xf32, #tpu.memory_space<vmem>>, vector<16xf32>,
        %mul3A_748 = arith.constant 16 : i32
        %mul3A_749 = arith.muli %scan3A_542, %mul3A_748 : i32
        %add3A_750 = arith.constant 8 : i32
        %add3A_751 = arith.addi %mul3A_749, %add3A_750 : i32
        %slice3A_752 = vector.extract_strided_slice %shift_left3A_555 {offsets = [8], sizes = [1], strides = [1]} : vector<16xi32> to vector<1xi32>
        %squeeze3A_753 = vector.extract %slice3A_752[0] : i32 from vector<1xi32>
        %add3A_754 = arith.constant 0 : i32
        %add3A_755 = arith.addi %squeeze3A_753, %add3A_754 : i32
        %get3A_756 = arith.index_cast %add3A_751 : i32 to index
        %get3A_757 = arith.index_cast %add3A_755 : i32 to index
        %get3A_758 = tpu.vector_load %arg8[%get3A_756, %get3A_757] {strides = array<i32>} : memref<200x128xf32, #tpu.memory_space<vmem>>, vector<16xf32>,
        %swap3A_759 = arith.index_cast %add3A_751 : i32 to index
        %swap3A_760 = arith.constant 0 : index
        %swap3A_761 = tpu.vector_load %arg10[%swap3A_759, %swap3A_760] {strides = array<i32>} : memref<200x32xf32, #tpu.memory_space<vmem>>, vector<16xf32>,
        tpu.vector_store %arg10[%swap3A_759, %swap3A_760], %get3A_758 {strides = array<i32>} : memref<200x32xf32, #tpu.memory_space<vmem>>, vector<16xf32>,
        %slice3A_762 = vector.extract_strided_slice %shift_left3A_555 {offsets = [8], sizes = [1], strides = [1]} : vector<16xi32> to vector<1xi32>
        %squeeze3A_763 = vector.extract %slice3A_762[0] : i32 from vector<1xi32>
        %add3A_764 = arith.constant 16 : i32
        %add3A_765 = arith.addi %squeeze3A_763, %add3A_764 : i32
        %get3A_766 = arith.index_cast %add3A_751 : i32 to index
        %get3A_767 = arith.index_cast %add3A_765 : i32 to index
        %get3A_768 = tpu.vector_load %arg8[%get3A_766, %get3A_767] {strides = array<i32>} : memref<200x128xf32, #tpu.memory_space<vmem>>, vector<16xf32>,
        %swap3A_769 = arith.index_cast %add3A_751 : i32 to index
        %swap3A_770 = arith.constant 16 : index
        %swap3A_771 = tpu.vector_load %arg10[%swap3A_769, %swap3A_770] {strides = array<i32>} : memref<200x32xf32, #tpu.memory_space<vmem>>, vector<16xf32>,
        tpu.vector_store %arg10[%swap3A_769, %swap3A_770], %get3A_768 {strides = array<i32>} : memref<200x32xf32, #tpu.memory_space<vmem>>, vector<16xf32>,
        %mul3A_772 = arith.constant 16 : i32
        %mul3A_773 = arith.muli %scan3A_542, %mul3A_772 : i32
        %add3A_774 = arith.constant 9 : i32
        %add3A_775 = arith.addi %mul3A_773, %add3A_774 : i32
        %slice3A_776 = vector.extract_strided_slice %shift_left3A_555 {offsets = [9], sizes = [1], strides = [1]} : vector<16xi32> to vector<1xi32>
        %squeeze3A_777 = vector.extract %slice3A_776[0] : i32 from vector<1xi32>
        %add3A_778 = arith.constant 0 : i32
        %add3A_779 = arith.addi %squeeze3A_777, %add3A_778 : i32
        %get3A_780 = arith.index_cast %add3A_775 : i32 to index
        %get3A_781 = arith.index_cast %add3A_779 : i32 to index
        %get3A_782 = tpu.vector_load %arg8[%get3A_780, %get3A_781] {strides = array<i32>} : memref<200x128xf32, #tpu.memory_space<vmem>>, vector<16xf32>,
        %swap3A_783 = arith.index_cast %add3A_775 : i32 to index
        %swap3A_784 = arith.constant 0 : index
        %swap3A_785 = tpu.vector_load %arg10[%swap3A_783, %swap3A_784] {strides = array<i32>} : memref<200x32xf32, #tpu.memory_space<vmem>>, vector<16xf32>,
        tpu.vector_store %arg10[%swap3A_783, %swap3A_784], %get3A_782 {strides = array<i32>} : memref<200x32xf32, #tpu.memory_space<vmem>>, vector<16xf32>,
        %slice3A_786 = vector.extract_strided_slice %shift_left3A_555 {offsets = [9], sizes = [1], strides = [1]} : vector<16xi32> to vector<1xi32>
        %squeeze3A_787 = vector.extract %slice3A_786[0] : i32 from vector<1xi32>
        %add3A_788 = arith.constant 16 : i32
        %add3A_789 = arith.addi %squeeze3A_787, %add3A_788 : i32
        %get3A_790 = arith.index_cast %add3A_775 : i32 to index
        %get3A_791 = arith.index_cast %add3A_789 : i32 to index
        %get3A_792 = tpu.vector_load %arg8[%get3A_790, %get3A_791] {strides = array<i32>} : memref<200x128xf32, #tpu.memory_space<vmem>>, vector<16xf32>,
        %swap3A_793 = arith.index_cast %add3A_775 : i32 to index
        %swap3A_794 = arith.constant 16 : index
        %swap3A_795 = tpu.vector_load %arg10[%swap3A_793, %swap3A_794] {strides = array<i32>} : memref<200x32xf32, #tpu.memory_space<vmem>>, vector<16xf32>,
        tpu.vector_store %arg10[%swap3A_793, %swap3A_794], %get3A_792 {strides = array<i32>} : memref<200x32xf32, #tpu.memory_space<vmem>>, vector<16xf32>,
        %mul3A_796 = arith.constant 16 : i32
        %mul3A_797 = arith.muli %scan3A_542, %mul3A_796 : i32
        %add3A_798 = arith.constant 10 : i32
        %add3A_799 = arith.addi %mul3A_797, %add3A_798 : i32
        %slice3A_800 = vector.extract_strided_slice %shift_left3A_555 {offsets = [10], sizes = [1], strides = [1]} : vector<16xi32> to vector<1xi32>
        %squeeze3A_801 = vector.extract %slice3A_800[0] : i32 from vector<1xi32>
        %add3A_802 = arith.constant 0 : i32
        %add3A_803 = arith.addi %squeeze3A_801, %add3A_802 : i32
        %get3A_804 = arith.index_cast %add3A_799 : i32 to index
        %get3A_805 = arith.index_cast %add3A_803 : i32 to index
        %get3A_806 = tpu.vector_load %arg8[%get3A_804, %get3A_805] {strides = array<i32>} : memref<200x128xf32, #tpu.memory_space<vmem>>, vector<16xf32>,
        %swap3A_807 = arith.index_cast %add3A_799 : i32 to index
        %swap3A_808 = arith.constant 0 : index
        %swap3A_809 = tpu.vector_load %arg10[%swap3A_807, %swap3A_808] {strides = array<i32>} : memref<200x32xf32, #tpu.memory_space<vmem>>, vector<16xf32>,
        tpu.vector_store %arg10[%swap3A_807, %swap3A_808], %get3A_806 {strides = array<i32>} : memref<200x32xf32, #tpu.memory_space<vmem>>, vector<16xf32>,
        %slice3A_810 = vector.extract_strided_slice %shift_left3A_555 {offsets = [10], sizes = [1], strides = [1]} : vector<16xi32> to vector<1xi32>
        %squeeze3A_811 = vector.extract %slice3A_810[0] : i32 from vector<1xi32>
        %add3A_812 = arith.constant 16 : i32
        %add3A_813 = arith.addi %squeeze3A_811, %add3A_812 : i32
        %get3A_814 = arith.index_cast %add3A_799 : i32 to index
        %get3A_815 = arith.index_cast %add3A_813 : i32 to index
        %get3A_816 = tpu.vector_load %arg8[%get3A_814, %get3A_815] {strides = array<i32>} : memref<200x128xf32, #tpu.memory_space<vmem>>, vector<16xf32>,
        %swap3A_817 = arith.index_cast %add3A_799 : i32 to index
        %swap3A_818 = arith.constant 16 : index
        %swap3A_819 = tpu.vector_load %arg10[%swap3A_817, %swap3A_818] {strides = array<i32>} : memref<200x32xf32, #tpu.memory_space<vmem>>, vector<16xf32>,
        tpu.vector_store %arg10[%swap3A_817, %swap3A_818], %get3A_816 {strides = array<i32>} : memref<200x32xf32, #tpu.memory_space<vmem>>, vector<16xf32>,
        %mul3A_820 = arith.constant 16 : i32
        %mul3A_821 = arith.muli %scan3A_542, %mul3A_820 : i32
        %add3A_822 = arith.constant 11 : i32
        %add3A_823 = arith.addi %mul3A_821, %add3A_822 : i32
        %slice3A_824 = vector.extract_strided_slice %shift_left3A_555 {offsets = [11], sizes = [1], strides = [1]} : vector<16xi32> to vector<1xi32>
        %squeeze3A_825 = vector.extract %slice3A_824[0] : i32 from vector<1xi32>
        %add3A_826 = arith.constant 0 : i32
        %add3A_827 = arith.addi %squeeze3A_825, %add3A_826 : i32
        %get3A_828 = arith.index_cast %add3A_823 : i32 to index
        %get3A_829 = arith.index_cast %add3A_827 : i32 to index
        %get3A_830 = tpu.vector_load %arg8[%get3A_828, %get3A_829] {strides = array<i32>} : memref<200x128xf32, #tpu.memory_space<vmem>>, vector<16xf32>,
        %swap3A_831 = arith.index_cast %add3A_823 : i32 to index
        %swap3A_832 = arith.constant 0 : index
        %swap3A_833 = tpu.vector_load %arg10[%swap3A_831, %swap3A_832] {strides = array<i32>} : memref<200x32xf32, #tpu.memory_space<vmem>>, vector<16xf32>,
        tpu.vector_store %arg10[%swap3A_831, %swap3A_832], %get3A_830 {strides = array<i32>} : memref<200x32xf32, #tpu.memory_space<vmem>>, vector<16xf32>,
        %slice3A_834 = vector.extract_strided_slice %shift_left3A_555 {offsets = [11], sizes = [1], strides = [1]} : vector<16xi32> to vector<1xi32>
        %squeeze3A_835 = vector.extract %slice3A_834[0] : i32 from vector<1xi32>
        %add3A_836 = arith.constant 16 : i32
        %add3A_837 = arith.addi %squeeze3A_835, %add3A_836 : i32
        %get3A_838 = arith.index_cast %add3A_823 : i32 to index
        %get3A_839 = arith.index_cast %add3A_837 : i32 to index
        %get3A_840 = tpu.vector_load %arg8[%get3A_838, %get3A_839] {strides = array<i32>} : memref<200x128xf32, #tpu.memory_space<vmem>>, vector<16xf32>,
        %swap3A_841 = arith.index_cast %add3A_823 : i32 to index
        %swap3A_842 = arith.constant 16 : index
        %swap3A_843 = tpu.vector_load %arg10[%swap3A_841, %swap3A_842] {strides = array<i32>} : memref<200x32xf32, #tpu.memory_space<vmem>>, vector<16xf32>,
        tpu.vector_store %arg10[%swap3A_841, %swap3A_842], %get3A_840 {strides = array<i32>} : memref<200x32xf32, #tpu.memory_space<vmem>>, vector<16xf32>,
        %mul3A_844 = arith.constant 16 : i32
        %mul3A_845 = arith.muli %scan3A_542, %mul3A_844 : i32
        %add3A_846 = arith.constant 12 : i32
        %add3A_847 = arith.addi %mul3A_845, %add3A_846 : i32
        %slice3A_848 = vector.extract_strided_slice %shift_left3A_555 {offsets = [12], sizes = [1], strides = [1]} : vector<16xi32> to vector<1xi32>
        %squeeze3A_849 = vector.extract %slice3A_848[0] : i32 from vector<1xi32>
        %add3A_850 = arith.constant 0 : i32
        %add3A_851 = arith.addi %squeeze3A_849, %add3A_850 : i32
        %get3A_852 = arith.index_cast %add3A_847 : i32 to index
        %get3A_853 = arith.index_cast %add3A_851 : i32 to index
        %get3A_854 = tpu.vector_load %arg8[%get3A_852, %get3A_853] {strides = array<i32>} : memref<200x128xf32, #tpu.memory_space<vmem>>, vector<16xf32>,
        %swap3A_855 = arith.index_cast %add3A_847 : i32 to index
        %swap3A_856 = arith.constant 0 : index
        %swap3A_857 = tpu.vector_load %arg10[%swap3A_855, %swap3A_856] {strides = array<i32>} : memref<200x32xf32, #tpu.memory_space<vmem>>, vector<16xf32>,
        tpu.vector_store %arg10[%swap3A_855, %swap3A_856], %get3A_854 {strides = array<i32>} : memref<200x32xf32, #tpu.memory_space<vmem>>, vector<16xf32>,
        %slice3A_858 = vector.extract_strided_slice %shift_left3A_555 {offsets = [12], sizes = [1], strides = [1]} : vector<16xi32> to vector<1xi32>
        %squeeze3A_859 = vector.extract %slice3A_858[0] : i32 from vector<1xi32>
        %add3A_860 = arith.constant 16 : i32
        %add3A_861 = arith.addi %squeeze3A_859, %add3A_860 : i32
        %get3A_862 = arith.index_cast %add3A_847 : i32 to index
        %get3A_863 = arith.index_cast %add3A_861 : i32 to index
        %get3A_864 = tpu.vector_load %arg8[%get3A_862, %get3A_863] {strides = array<i32>} : memref<200x128xf32, #tpu.memory_space<vmem>>, vector<16xf32>,
        %swap3A_865 = arith.index_cast %add3A_847 : i32 to index
        %swap3A_866 = arith.constant 16 : index
        %swap3A_867 = tpu.vector_load %arg10[%swap3A_865, %swap3A_866] {strides = array<i32>} : memref<200x32xf32, #tpu.memory_space<vmem>>, vector<16xf32>,
        tpu.vector_store %arg10[%swap3A_865, %swap3A_866], %get3A_864 {strides = array<i32>} : memref<200x32xf32, #tpu.memory_space<vmem>>, vector<16xf32>,
        %mul3A_868 = arith.constant 16 : i32
        %mul3A_869 = arith.muli %scan3A_542, %mul3A_868 : i32
        %add3A_870 = arith.constant 13 : i32
        %add3A_871 = arith.addi %mul3A_869, %add3A_870 : i32
        %slice3A_872 = vector.extract_strided_slice %shift_left3A_555 {offsets = [13], sizes = [1], strides = [1]} : vector<16xi32> to vector<1xi32>
        %squeeze3A_873 = vector.extract %slice3A_872[0] : i32 from vector<1xi32>
        %add3A_874 = arith.constant 0 : i32
        %add3A_875 = arith.addi %squeeze3A_873, %add3A_874 : i32
        %get3A_876 = arith.index_cast %add3A_871 : i32 to index
        %get3A_877 = arith.index_cast %add3A_875 : i32 to index
        %get3A_878 = tpu.vector_load %arg8[%get3A_876, %get3A_877] {strides = array<i32>} : memref<200x128xf32, #tpu.memory_space<vmem>>, vector<16xf32>,
        %swap3A_879 = arith.index_cast %add3A_871 : i32 to index
        %swap3A_880 = arith.constant 0 : index
        %swap3A_881 = tpu.vector_load %arg10[%swap3A_879, %swap3A_880] {strides = array<i32>} : memref<200x32xf32, #tpu.memory_space<vmem>>, vector<16xf32>,
        tpu.vector_store %arg10[%swap3A_879, %swap3A_880], %get3A_878 {strides = array<i32>} : memref<200x32xf32, #tpu.memory_space<vmem>>, vector<16xf32>,
        %slice3A_882 = vector.extract_strided_slice %shift_left3A_555 {offsets = [13], sizes = [1], strides = [1]} : vector<16xi32> to vector<1xi32>
        %squeeze3A_883 = vector.extract %slice3A_882[0] : i32 from vector<1xi32>
        %add3A_884 = arith.constant 16 : i32
        %add3A_885 = arith.addi %squeeze3A_883, %add3A_884 : i32
        %get3A_886 = arith.index_cast %add3A_871 : i32 to index
        %get3A_887 = arith.index_cast %add3A_885 : i32 to index
        %get3A_888 = tpu.vector_load %arg8[%get3A_886, %get3A_887] {strides = array<i32>} : memref<200x128xf32, #tpu.memory_space<vmem>>, vector<16xf32>,
        %swap3A_889 = arith.index_cast %add3A_871 : i32 to index
        %swap3A_890 = arith.constant 16 : index
        %swap3A_891 = tpu.vector_load %arg10[%swap3A_889, %swap3A_890] {strides = array<i32>} : memref<200x32xf32, #tpu.memory_space<vmem>>, vector<16xf32>,
        tpu.vector_store %arg10[%swap3A_889, %swap3A_890], %get3A_888 {strides = array<i32>} : memref<200x32xf32, #tpu.memory_space<vmem>>, vector<16xf32>,
        %mul3A_892 = arith.constant 16 : i32
        %mul3A_893 = arith.muli %scan3A_542, %mul3A_892 : i32
        %add3A_894 = arith.constant 14 : i32
        %add3A_895 = arith.addi %mul3A_893, %add3A_894 : i32
        %slice3A_896 = vector.extract_strided_slice %shift_left3A_555 {offsets = [14], sizes = [1], strides = [1]} : vector<16xi32> to vector<1xi32>
        %squeeze3A_897 = vector.extract %slice3A_896[0] : i32 from vector<1xi32>
        %add3A_898 = arith.constant 0 : i32
        %add3A_899 = arith.addi %squeeze3A_897, %add3A_898 : i32
        %get3A_900 = arith.index_cast %add3A_895 : i32 to index
        %get3A_901 = arith.index_cast %add3A_899 : i32 to index
        %get3A_902 = tpu.vector_load %arg8[%get3A_900, %get3A_901] {strides = array<i32>} : memref<200x128xf32, #tpu.memory_space<vmem>>, vector<16xf32>,
        %swap3A_903 = arith.index_cast %add3A_895 : i32 to index
        %swap3A_904 = arith.constant 0 : index
        %swap3A_905 = tpu.vector_load %arg10[%swap3A_903, %swap3A_904] {strides = array<i32>} : memref<200x32xf32, #tpu.memory_space<vmem>>, vector<16xf32>,
        tpu.vector_store %arg10[%swap3A_903, %swap3A_904], %get3A_902 {strides = array<i32>} : memref<200x32xf32, #tpu.memory_space<vmem>>, vector<16xf32>,
        %slice3A_906 = vector.extract_strided_slice %shift_left3A_555 {offsets = [14], sizes = [1], strides = [1]} : vector<16xi32> to vector<1xi32>
        %squeeze3A_907 = vector.extract %slice3A_906[0] : i32 from vector<1xi32>
        %add3A_908 = arith.constant 16 : i32
        %add3A_909 = arith.addi %squeeze3A_907, %add3A_908 : i32
        %get3A_910 = arith.index_cast %add3A_895 : i32 to index
        %get3A_911 = arith.index_cast %add3A_909 : i32 to index
        %get3A_912 = tpu.vector_load %arg8[%get3A_910, %get3A_911] {strides = array<i32>} : memref<200x128xf32, #tpu.memory_space<vmem>>, vector<16xf32>,
        %swap3A_913 = arith.index_cast %add3A_895 : i32 to index
        %swap3A_914 = arith.constant 16 : index
        %swap3A_915 = tpu.vector_load %arg10[%swap3A_913, %swap3A_914] {strides = array<i32>} : memref<200x32xf32, #tpu.memory_space<vmem>>, vector<16xf32>,
        tpu.vector_store %arg10[%swap3A_913, %swap3A_914], %get3A_912 {strides = array<i32>} : memref<200x32xf32, #tpu.memory_space<vmem>>, vector<16xf32>,
        %mul3A_916 = arith.constant 16 : i32
        %mul3A_917 = arith.muli %scan3A_542, %mul3A_916 : i32
        %add3A_918 = arith.constant 15 : i32
        %add3A_919 = arith.addi %mul3A_917, %add3A_918 : i32
        %slice3A_920 = vector.extract_strided_slice %shift_left3A_555 {offsets = [15], sizes = [1], strides = [1]} : vector<16xi32> to vector<1xi32>
        %squeeze3A_921 = vector.extract %slice3A_920[0] : i32 from vector<1xi32>
        %add3A_922 = arith.constant 0 : i32
        %add3A_923 = arith.addi %squeeze3A_921, %add3A_922 : i32
        %get3A_924 = arith.index_cast %add3A_919 : i32 to index
        %get3A_925 = arith.index_cast %add3A_923 : i32 to index
        %get3A_926 = tpu.vector_load %arg8[%get3A_924, %get3A_925] {strides = array<i32>} : memref<200x128xf32, #tpu.memory_space<vmem>>, vector<16xf32>,
        %swap3A_927 = arith.index_cast %add3A_919 : i32 to index
        %swap3A_928 = arith.constant 0 : index
        %swap3A_929 = tpu.vector_load %arg10[%swap3A_927, %swap3A_928] {strides = array<i32>} : memref<200x32xf32, #tpu.memory_space<vmem>>, vector<16xf32>,
        tpu.vector_store %arg10[%swap3A_927, %swap3A_928], %get3A_926 {strides = array<i32>} : memref<200x32xf32, #tpu.memory_space<vmem>>, vector<16xf32>,
        %slice3A_930 = vector.extract_strided_slice %shift_left3A_555 {offsets = [15], sizes = [1], strides = [1]} : vector<16xi32> to vector<1xi32>
        %squeeze3A_931 = vector.extract %slice3A_930[0] : i32 from vector<1xi32>
        %add3A_932 = arith.constant 16 : i32
        %add3A_933 = arith.addi %squeeze3A_931, %add3A_932 : i32
        %get3A_934 = arith.index_cast %add3A_919 : i32 to index
        %get3A_935 = arith.index_cast %add3A_933 : i32 to index
        %get3A_936 = tpu.vector_load %arg8[%get3A_934, %get3A_935] {strides = array<i32>} : memref<200x128xf32, #tpu.memory_space<vmem>>, vector<16xf32>,
        %swap3A_937 = arith.index_cast %add3A_919 : i32 to index
        %swap3A_938 = arith.constant 16 : index
        %swap3A_939 = tpu.vector_load %arg10[%swap3A_937, %swap3A_938] {strides = array<i32>} : memref<200x32xf32, #tpu.memory_space<vmem>>, vector<16xf32>,
        tpu.vector_store %arg10[%swap3A_937, %swap3A_938], %get3A_936 {strides = array<i32>} : memref<200x32xf32, #tpu.memory_space<vmem>>, vector<16xf32>,
      }
      %scan3A_85 = arith.constant 12 : i32
      %mul3A_86 = arith.constant 200 : i32
      %mul3A_87 = arith.muli %mul3A_74, %mul3A_86 : i32
      %add3A_88 = arith.constant 184 : i32
      %add3A_89 = arith.addi %mul3A_87, %add3A_88 : i32
      %get3A_90 = arith.index_cast %add3A_89 : i32 to index
      %get3A_91 = tpu.vector_load %arg5[%get3A_90] {strides = array<i32>} : memref<25600xi32, #tpu.memory_space<vmem>>, vector<16xi32>,
      %and3A_92 = arith.constant 3 : i32
      %and3A_93 = vector.broadcast %and3A_92 : i32 to vector<16xi32>
      %and3A_94 = arith.andi %get3A_91, %and3A_93 : vector<16xi32>
      %shift_left3A = arith.constant 5 : i32
      %shift_left3A_95 = vector.broadcast %shift_left3A : i32 to vector<16xi32>
      %shift_left3A_96 = arith.shli %and3A_94, %shift_left3A_95 : vector<16xi32>
      %slice3A = vector.extract_strided_slice %shift_left3A_96 {offsets = [8], sizes = [1], strides = [1]} : vector<16xi32> to vector<1xi32>
      %squeeze3A = vector.extract %slice3A[0] : i32 from vector<1xi32>
      %add3A_97 = arith.constant 0 : i32
      %add3A_98 = arith.addi %squeeze3A, %add3A_97 : i32
      %get3A_99 = arith.constant 192 : i32
      %get3A_100 = arith.index_cast %get3A_99 : i32 to index
      %get3A_101 = arith.index_cast %add3A_98 : i32 to index
      %get3A_102 = tpu.vector_load %arg8[%get3A_100, %get3A_101] {strides = array<i32>} : memref<200x128xf32, #tpu.memory_space<vmem>>, vector<16xf32>,
      %swap3A_103 = arith.constant 192 : i32
      %swap3A_104 = arith.index_cast %swap3A_103 : i32 to index
      %swap3A_105 = arith.constant 0 : index
      %swap3A_106 = tpu.vector_load %arg10[%swap3A_104, %swap3A_105] {strides = array<i32>} : memref<200x32xf32, #tpu.memory_space<vmem>>, vector<16xf32>,
      tpu.vector_store %arg10[%swap3A_104, %swap3A_105], %get3A_102 {strides = array<i32>} : memref<200x32xf32, #tpu.memory_space<vmem>>, vector<16xf32>,
      %slice3A_107 = vector.extract_strided_slice %shift_left3A_96 {offsets = [8], sizes = [1], strides = [1]} : vector<16xi32> to vector<1xi32>
      %squeeze3A_108 = vector.extract %slice3A_107[0] : i32 from vector<1xi32>
      %add3A_109 = arith.constant 16 : i32
      %add3A_110 = arith.addi %squeeze3A_108, %add3A_109 : i32
      %get3A_111 = arith.constant 192 : i32
      %get3A_112 = arith.index_cast %get3A_111 : i32 to index
      %get3A_113 = arith.index_cast %add3A_110 : i32 to index
      %get3A_114 = tpu.vector_load %arg8[%get3A_112, %get3A_113] {strides = array<i32>} : memref<200x128xf32, #tpu.memory_space<vmem>>, vector<16xf32>,
      %swap3A_115 = arith.constant 192 : i32
      %swap3A_116 = arith.index_cast %swap3A_115 : i32 to index
      %swap3A_117 = arith.constant 16 : index
      %swap3A_118 = tpu.vector_load %arg10[%swap3A_116, %swap3A_117] {strides = array<i32>} : memref<200x32xf32, #tpu.memory_space<vmem>>, vector<16xf32>,
      tpu.vector_store %arg10[%swap3A_116, %swap3A_117], %get3A_114 {strides = array<i32>} : memref<200x32xf32, #tpu.memory_space<vmem>>, vector<16xf32>,
      %slice3A_119 = vector.extract_strided_slice %shift_left3A_96 {offsets = [9], sizes = [1], strides = [1]} : vector<16xi32> to vector<1xi32>
      %squeeze3A_120 = vector.extract %slice3A_119[0] : i32 from vector<1xi32>
      %add3A_121 = arith.constant 0 : i32
      %add3A_122 = arith.addi %squeeze3A_120, %add3A_121 : i32
      %get3A_123 = arith.constant 193 : i32
      %get3A_124 = arith.index_cast %get3A_123 : i32 to index
      %get3A_125 = arith.index_cast %add3A_122 : i32 to index
      %get3A_126 = tpu.vector_load %arg8[%get3A_124, %get3A_125] {strides = array<i32>} : memref<200x128xf32, #tpu.memory_space<vmem>>, vector<16xf32>,
      %swap3A_127 = arith.constant 193 : i32
      %swap3A_128 = arith.index_cast %swap3A_127 : i32 to index
      %swap3A_129 = arith.constant 0 : index
      %swap3A_130 = tpu.vector_load %arg10[%swap3A_128, %swap3A_129] {strides = array<i32>} : memref<200x32xf32, #tpu.memory_space<vmem>>, vector<16xf32>,
      tpu.vector_store %arg10[%swap3A_128, %swap3A_129], %get3A_126 {strides = array<i32>} : memref<200x32xf32, #tpu.memory_space<vmem>>, vector<16xf32>,
      %slice3A_131 = vector.extract_strided_slice %shift_left3A_96 {offsets = [9], sizes = [1], strides = [1]} : vector<16xi32> to vector<1xi32>
      %squeeze3A_132 = vector.extract %slice3A_131[0] : i32 from vector<1xi32>
      %add3A_133 = arith.constant 16 : i32
      %add3A_134 = arith.addi %squeeze3A_132, %add3A_133 : i32
      %get3A_135 = arith.constant 193 : i32
      %get3A_136 = arith.index_cast %get3A_135 : i32 to index
      %get3A_137 = arith.index_cast %add3A_134 : i32 to index
      %get3A_138 = tpu.vector_load %arg8[%get3A_136, %get3A_137] {strides = array<i32>} : memref<200x128xf32, #tpu.memory_space<vmem>>, vector<16xf32>,
      %swap3A_139 = arith.constant 193 : i32
      %swap3A_140 = arith.index_cast %swap3A_139 : i32 to index
      %swap3A_141 = arith.constant 16 : index
      %swap3A_142 = tpu.vector_load %arg10[%swap3A_140, %swap3A_141] {strides = array<i32>} : memref<200x32xf32, #tpu.memory_space<vmem>>, vector<16xf32>,
      tpu.vector_store %arg10[%swap3A_140, %swap3A_141], %get3A_138 {strides = array<i32>} : memref<200x32xf32, #tpu.memory_space<vmem>>, vector<16xf32>,
      %slice3A_143 = vector.extract_strided_slice %shift_left3A_96 {offsets = [10], sizes = [1], strides = [1]} : vector<16xi32> to vector<1xi32>
      %squeeze3A_144 = vector.extract %slice3A_143[0] : i32 from vector<1xi32>
      %add3A_145 = arith.constant 0 : i32
      %add3A_146 = arith.addi %squeeze3A_144, %add3A_145 : i32
      %get3A_147 = arith.constant 194 : i32
      %get3A_148 = arith.index_cast %get3A_147 : i32 to index
      %get3A_149 = arith.index_cast %add3A_146 : i32 to index
      %get3A_150 = tpu.vector_load %arg8[%get3A_148, %get3A_149] {strides = array<i32>} : memref<200x128xf32, #tpu.memory_space<vmem>>, vector<16xf32>,
      %swap3A_151 = arith.constant 194 : i32
      %swap3A_152 = arith.index_cast %swap3A_151 : i32 to index
      %swap3A_153 = arith.constant 0 : index
      %swap3A_154 = tpu.vector_load %arg10[%swap3A_152, %swap3A_153] {strides = array<i32>} : memref<200x32xf32, #tpu.memory_space<vmem>>, vector<16xf32>,
      tpu.vector_store %arg10[%swap3A_152, %swap3A_153], %get3A_150 {strides = array<i32>} : memref<200x32xf32, #tpu.memory_space<vmem>>, vector<16xf32>,
      %slice3A_155 = vector.extract_strided_slice %shift_left3A_96 {offsets = [10], sizes = [1], strides = [1]} : vector<16xi32> to vector<1xi32>
      %squeeze3A_156 = vector.extract %slice3A_155[0] : i32 from vector<1xi32>
      %add3A_157 = arith.constant 16 : i32
      %add3A_158 = arith.addi %squeeze3A_156, %add3A_157 : i32
      %get3A_159 = arith.constant 194 : i32
      %get3A_160 = arith.index_cast %get3A_159 : i32 to index
      %get3A_161 = arith.index_cast %add3A_158 : i32 to index
      %get3A_162 = tpu.vector_load %arg8[%get3A_160, %get3A_161] {strides = array<i32>} : memref<200x128xf32, #tpu.memory_space<vmem>>, vector<16xf32>,
      %swap3A_163 = arith.constant 194 : i32
      %swap3A_164 = arith.index_cast %swap3A_163 : i32 to index
      %swap3A_165 = arith.constant 16 : index
      %swap3A_166 = tpu.vector_load %arg10[%swap3A_164, %swap3A_165] {strides = array<i32>} : memref<200x32xf32, #tpu.memory_space<vmem>>, vector<16xf32>,
      tpu.vector_store %arg10[%swap3A_164, %swap3A_165], %get3A_162 {strides = array<i32>} : memref<200x32xf32, #tpu.memory_space<vmem>>, vector<16xf32>,
      %slice3A_167 = vector.extract_strided_slice %shift_left3A_96 {offsets = [11], sizes = [1], strides = [1]} : vector<16xi32> to vector<1xi32>
      %squeeze3A_168 = vector.extract %slice3A_167[0] : i32 from vector<1xi32>
      %add3A_169 = arith.constant 0 : i32
      %add3A_170 = arith.addi %squeeze3A_168, %add3A_169 : i32
      %get3A_171 = arith.constant 195 : i32
      %get3A_172 = arith.index_cast %get3A_171 : i32 to index
      %get3A_173 = arith.index_cast %add3A_170 : i32 to index
      %get3A_174 = tpu.vector_load %arg8[%get3A_172, %get3A_173] {strides = array<i32>} : memref<200x128xf32, #tpu.memory_space<vmem>>, vector<16xf32>,
      %swap3A_175 = arith.constant 195 : i32
      %swap3A_176 = arith.index_cast %swap3A_175 : i32 to index
      %swap3A_177 = arith.constant 0 : index
      %swap3A_178 = tpu.vector_load %arg10[%swap3A_176, %swap3A_177] {strides = array<i32>} : memref<200x32xf32, #tpu.memory_space<vmem>>, vector<16xf32>,
      tpu.vector_store %arg10[%swap3A_176, %swap3A_177], %get3A_174 {strides = array<i32>} : memref<200x32xf32, #tpu.memory_space<vmem>>, vector<16xf32>,
      %slice3A_179 = vector.extract_strided_slice %shift_left3A_96 {offsets = [11], sizes = [1], strides = [1]} : vector<16xi32> to vector<1xi32>
      %squeeze3A_180 = vector.extract %slice3A_179[0] : i32 from vector<1xi32>
      %add3A_181 = arith.constant 16 : i32
      %add3A_182 = arith.addi %squeeze3A_180, %add3A_181 : i32
      %get3A_183 = arith.constant 195 : i32
      %get3A_184 = arith.index_cast %get3A_183 : i32 to index
      %get3A_185 = arith.index_cast %add3A_182 : i32 to index
      %get3A_186 = tpu.vector_load %arg8[%get3A_184, %get3A_185] {strides = array<i32>} : memref<200x128xf32, #tpu.memory_space<vmem>>, vector<16xf32>,
      %swap3A_187 = arith.constant 195 : i32
      %swap3A_188 = arith.index_cast %swap3A_187 : i32 to index
      %swap3A_189 = arith.constant 16 : index
      %swap3A_190 = tpu.vector_load %arg10[%swap3A_188, %swap3A_189] {strides = array<i32>} : memref<200x32xf32, #tpu.memory_space<vmem>>, vector<16xf32>,
      tpu.vector_store %arg10[%swap3A_188, %swap3A_189], %get3A_186 {strides = array<i32>} : memref<200x32xf32, #tpu.memory_space<vmem>>, vector<16xf32>,
      %slice3A_191 = vector.extract_strided_slice %shift_left3A_96 {offsets = [12], sizes = [1], strides = [1]} : vector<16xi32> to vector<1xi32>
      %squeeze3A_192 = vector.extract %slice3A_191[0] : i32 from vector<1xi32>
      %add3A_193 = arith.constant 0 : i32
      %add3A_194 = arith.addi %squeeze3A_192, %add3A_193 : i32
      %get3A_195 = arith.constant 196 : i32
      %get3A_196 = arith.index_cast %get3A_195 : i32 to index
      %get3A_197 = arith.index_cast %add3A_194 : i32 to index
      %get3A_198 = tpu.vector_load %arg8[%get3A_196, %get3A_197] {strides = array<i32>} : memref<200x128xf32, #tpu.memory_space<vmem>>, vector<16xf32>,
      %swap3A_199 = arith.constant 196 : i32
      %swap3A_200 = arith.index_cast %swap3A_199 : i32 to index
      %swap3A_201 = arith.constant 0 : index
      %swap3A_202 = tpu.vector_load %arg10[%swap3A_200, %swap3A_201] {strides = array<i32>} : memref<200x32xf32, #tpu.memory_space<vmem>>, vector<16xf32>,
      tpu.vector_store %arg10[%swap3A_200, %swap3A_201], %get3A_198 {strides = array<i32>} : memref<200x32xf32, #tpu.memory_space<vmem>>, vector<16xf32>,
      %slice3A_203 = vector.extract_strided_slice %shift_left3A_96 {offsets = [12], sizes = [1], strides = [1]} : vector<16xi32> to vector<1xi32>
      %squeeze3A_204 = vector.extract %slice3A_203[0] : i32 from vector<1xi32>
      %add3A_205 = arith.constant 16 : i32
      %add3A_206 = arith.addi %squeeze3A_204, %add3A_205 : i32
      %get3A_207 = arith.constant 196 : i32
      %get3A_208 = arith.index_cast %get3A_207 : i32 to index
      %get3A_209 = arith.index_cast %add3A_206 : i32 to index
      %get3A_210 = tpu.vector_load %arg8[%get3A_208, %get3A_209] {strides = array<i32>} : memref<200x128xf32, #tpu.memory_space<vmem>>, vector<16xf32>,
      %swap3A_211 = arith.constant 196 : i32
      %swap3A_212 = arith.index_cast %swap3A_211 : i32 to index
      %swap3A_213 = arith.constant 16 : index
      %swap3A_214 = tpu.vector_load %arg10[%swap3A_212, %swap3A_213] {strides = array<i32>} : memref<200x32xf32, #tpu.memory_space<vmem>>, vector<16xf32>,
      tpu.vector_store %arg10[%swap3A_212, %swap3A_213], %get3A_210 {strides = array<i32>} : memref<200x32xf32, #tpu.memory_space<vmem>>, vector<16xf32>,
      %slice3A_215 = vector.extract_strided_slice %shift_left3A_96 {offsets = [13], sizes = [1], strides = [1]} : vector<16xi32> to vector<1xi32>
      %squeeze3A_216 = vector.extract %slice3A_215[0] : i32 from vector<1xi32>
      %add3A_217 = arith.constant 0 : i32
      %add3A_218 = arith.addi %squeeze3A_216, %add3A_217 : i32
      %get3A_219 = arith.constant 197 : i32
      %get3A_220 = arith.index_cast %get3A_219 : i32 to index
      %get3A_221 = arith.index_cast %add3A_218 : i32 to index
      %get3A_222 = tpu.vector_load %arg8[%get3A_220, %get3A_221] {strides = array<i32>} : memref<200x128xf32, #tpu.memory_space<vmem>>, vector<16xf32>,
      %swap3A_223 = arith.constant 197 : i32
      %swap3A_224 = arith.index_cast %swap3A_223 : i32 to index
      %swap3A_225 = arith.constant 0 : index
      %swap3A_226 = tpu.vector_load %arg10[%swap3A_224, %swap3A_225] {strides = array<i32>} : memref<200x32xf32, #tpu.memory_space<vmem>>, vector<16xf32>,
      tpu.vector_store %arg10[%swap3A_224, %swap3A_225], %get3A_222 {strides = array<i32>} : memref<200x32xf32, #tpu.memory_space<vmem>>, vector<16xf32>,
      %slice3A_227 = vector.extract_strided_slice %shift_left3A_96 {offsets = [13], sizes = [1], strides = [1]} : vector<16xi32> to vector<1xi32>
      %squeeze3A_228 = vector.extract %slice3A_227[0] : i32 from vector<1xi32>
      %add3A_229 = arith.constant 16 : i32
      %add3A_230 = arith.addi %squeeze3A_228, %add3A_229 : i32
      %get3A_231 = arith.constant 197 : i32
      %get3A_232 = arith.index_cast %get3A_231 : i32 to index
      %get3A_233 = arith.index_cast %add3A_230 : i32 to index
      %get3A_234 = tpu.vector_load %arg8[%get3A_232, %get3A_233] {strides = array<i32>} : memref<200x128xf32, #tpu.memory_space<vmem>>, vector<16xf32>,
      %swap3A_235 = arith.constant 197 : i32
      %swap3A_236 = arith.index_cast %swap3A_235 : i32 to index
      %swap3A_237 = arith.constant 16 : index
      %swap3A_238 = tpu.vector_load %arg10[%swap3A_236, %swap3A_237] {strides = array<i32>} : memref<200x32xf32, #tpu.memory_space<vmem>>, vector<16xf32>,
      tpu.vector_store %arg10[%swap3A_236, %swap3A_237], %get3A_234 {strides = array<i32>} : memref<200x32xf32, #tpu.memory_space<vmem>>, vector<16xf32>,
      %slice3A_239 = vector.extract_strided_slice %shift_left3A_96 {offsets = [14], sizes = [1], strides = [1]} : vector<16xi32> to vector<1xi32>
      %squeeze3A_240 = vector.extract %slice3A_239[0] : i32 from vector<1xi32>
      %add3A_241 = arith.constant 0 : i32
      %add3A_242 = arith.addi %squeeze3A_240, %add3A_241 : i32
      %get3A_243 = arith.constant 198 : i32
      %get3A_244 = arith.index_cast %get3A_243 : i32 to index
      %get3A_245 = arith.index_cast %add3A_242 : i32 to index
      %get3A_246 = tpu.vector_load %arg8[%get3A_244, %get3A_245] {strides = array<i32>} : memref<200x128xf32, #tpu.memory_space<vmem>>, vector<16xf32>,
      %swap3A_247 = arith.constant 198 : i32
      %swap3A_248 = arith.index_cast %swap3A_247 : i32 to index
      %swap3A_249 = arith.constant 0 : index
      %swap3A_250 = tpu.vector_load %arg10[%swap3A_248, %swap3A_249] {strides = array<i32>} : memref<200x32xf32, #tpu.memory_space<vmem>>, vector<16xf32>,
      tpu.vector_store %arg10[%swap3A_248, %swap3A_249], %get3A_246 {strides = array<i32>} : memref<200x32xf32, #tpu.memory_space<vmem>>, vector<16xf32>,
      %slice3A_251 = vector.extract_strided_slice %shift_left3A_96 {offsets = [14], sizes = [1], strides = [1]} : vector<16xi32> to vector<1xi32>
      %squeeze3A_252 = vector.extract %slice3A_251[0] : i32 from vector<1xi32>
      %add3A_253 = arith.constant 16 : i32
      %add3A_254 = arith.addi %squeeze3A_252, %add3A_253 : i32
      %get3A_255 = arith.constant 198 : i32
      %get3A_256 = arith.index_cast %get3A_255 : i32 to index
      %get3A_257 = arith.index_cast %add3A_254 : i32 to index
      %get3A_258 = tpu.vector_load %arg8[%get3A_256, %get3A_257] {strides = array<i32>} : memref<200x128xf32, #tpu.memory_space<vmem>>, vector<16xf32>,
      %swap3A_259 = arith.constant 198 : i32
      %swap3A_260 = arith.index_cast %swap3A_259 : i32 to index
      %swap3A_261 = arith.constant 16 : index
      %swap3A_262 = tpu.vector_load %arg10[%swap3A_260, %swap3A_261] {strides = array<i32>} : memref<200x32xf32, #tpu.memory_space<vmem>>, vector<16xf32>,
      tpu.vector_store %arg10[%swap3A_260, %swap3A_261], %get3A_258 {strides = array<i32>} : memref<200x32xf32, #tpu.memory_space<vmem>>, vector<16xf32>,
      %slice3A_263 = vector.extract_strided_slice %shift_left3A_96 {offsets = [15], sizes = [1], strides = [1]} : vector<16xi32> to vector<1xi32>
      %squeeze3A_264 = vector.extract %slice3A_263[0] : i32 from vector<1xi32>
      %add3A_265 = arith.constant 0 : i32
      %add3A_266 = arith.addi %squeeze3A_264, %add3A_265 : i32
      %get3A_267 = arith.constant 199 : i32
      %get3A_268 = arith.index_cast %get3A_267 : i32 to index
      %get3A_269 = arith.index_cast %add3A_266 : i32 to index
      %get3A_270 = tpu.vector_load %arg8[%get3A_268, %get3A_269] {strides = array<i32>} : memref<200x128xf32, #tpu.memory_space<vmem>>, vector<16xf32>,
      %swap3A_271 = arith.constant 199 : i32
      %swap3A_272 = arith.index_cast %swap3A_271 : i32 to index
      %swap3A_273 = arith.constant 0 : index
      %swap3A_274 = tpu.vector_load %arg10[%swap3A_272, %swap3A_273] {strides = array<i32>} : memref<200x32xf32, #tpu.memory_space<vmem>>, vector<16xf32>,
      tpu.vector_store %arg10[%swap3A_272, %swap3A_273], %get3A_270 {strides = array<i32>} : memref<200x32xf32, #tpu.memory_space<vmem>>, vector<16xf32>,
      %slice3A_275 = vector.extract_strided_slice %shift_left3A_96 {offsets = [15], sizes = [1], strides = [1]} : vector<16xi32> to vector<1xi32>
      %squeeze3A_276 = vector.extract %slice3A_275[0] : i32 from vector<1xi32>
      %add3A_277 = arith.constant 16 : i32
      %add3A_278 = arith.addi %squeeze3A_276, %add3A_277 : i32
      %get3A_279 = arith.constant 199 : i32
      %get3A_280 = arith.index_cast %get3A_279 : i32 to index
      %get3A_281 = arith.index_cast %add3A_278 : i32 to index
      %get3A_282 = tpu.vector_load %arg8[%get3A_280, %get3A_281] {strides = array<i32>} : memref<200x128xf32, #tpu.memory_space<vmem>>, vector<16xf32>,
      %swap3A_283 = arith.constant 199 : i32
      %swap3A_284 = arith.index_cast %swap3A_283 : i32 to index
      %swap3A_285 = arith.constant 16 : index
      %swap3A_286 = tpu.vector_load %arg10[%swap3A_284, %swap3A_285] {strides = array<i32>} : memref<200x32xf32, #tpu.memory_space<vmem>>, vector<16xf32>,
      tpu.vector_store %arg10[%swap3A_284, %swap3A_285], %get3A_282 {strides = array<i32>} : memref<200x32xf32, #tpu.memory_space<vmem>>, vector<16xf32>,
      %mul3A_287 = arith.constant 4 : i32
      %mul3A_288 = arith.muli %mul3A_74, %mul3A_287 : i32
      %add3A_289 = arith.addi %select_n3A, %mul3A_288 : i32
      %multiple_of3A_290 = tpu.assume_multiple %add3A_289, 4 : i32
      %dma_start3A_291 = tpu.memref_reshape %arg10 : memref<200x32xf32, #tpu.memory_space<vmem>> -> memref<4x50x32xf32, #tpu.memory_space<vmem>>
      %dma_start3A_292 = arith.constant 0 : i32
      %dma_start3A_293 = arith.constant 0 : i32
      %dma_start3A_294 = tpu.memref_slice %arg4[%multiple_of3A_290, %dma_start3A_292, %dma_start3A_293] : memref<16384x50x32xf32, #tpu.memory_space<hbm>> -> memref<4x50x32xf32, #tpu.memory_space<hbm>>
      %dma_start3A_295 = arith.constant 0 : i32
      %dma_start3A_296 = arith.constant 0 : i32
      %dma_start3A_297 = tpu.memref_slice %arg4[%multiple_of3A_290, %dma_start3A_295, %dma_start3A_296] : memref<16384x50x32xf32, #tpu.memory_space<hbm>> -> memref<4x50x32xf32, #tpu.memory_space<hbm>>
      %dma_start3A_298 = tpu.memref_reshape %arg10 : memref<200x32xf32, #tpu.memory_space<vmem>> -> memref<4x50x32xf32, #tpu.memory_space<vmem>>
      tpu.enqueue_dma source(%dma_start3A_298 : memref<4x50x32xf32, #tpu.memory_space<vmem>>) target(%dma_start3A_297 : memref<4x50x32xf32, #tpu.memory_space<hbm>>) target_semaphore(%arg14 : memref<!tpu.dma_semaphore, #tpu.memory_space<semaphore_mem>>)
      %dma_wait3A_299 = arith.constant 0 : i32
      %dma_wait3A_300 = arith.constant 0 : i32
      %dma_wait3A_301 = tpu.memref_slice %arg3[%dma_wait3A_299, %dma_wait3A_300] : memref<250000x128xf32, #tpu.memory_space<hbm>> -> memref<250000x128xf32, #tpu.memory_space<hbm>>
      tpu.wait_indirect_dma semaphore(%arg13 : memref<!tpu.dma_semaphore, #tpu.memory_space<semaphore_mem>>) src(%dma_wait3A_301 : memref<250000x128xf32, #tpu.memory_space<hbm>>) dst(%arg9 : memref<200x128xf32, #tpu.memory_space<vmem>>)
      %lt3A = arith.constant 63 : i32
      %lt3A_302 = arith.cmpi slt, %scan3A_72, %lt3A : i32
      %convert_element_type3A_303 = arith.extui %lt3A_302 : i1 to i32
      %cond3A_304 = arith.constant 0 : i32
      %cond3A_305 = arith.cmpi ne, %convert_element_type3A_303, %cond3A_304 : i32
      scf.if %cond3A_305 {
        %add3A_542 = arith.constant 2 : i32
        %add3A_543 = arith.addi %mul3A_74, %add3A_542 : i32
        %scan3A_544 = arith.constant 0 : i32
        %scan3A_545 = arith.constant 0 : i32
        %scan3A_546 = arith.constant 12 : i32
        %scan3A_547 = arith.addi %scan3A_545, %scan3A_546 : i32
        %scan3A_548 = arith.constant 1 : i32
        scf.for %scan3A_564 = %scan3A_545 to %scan3A_547 step %scan3A_548  : i32 {
          %mul3A_565 = arith.constant 200 : i32
          %mul3A_566 = arith.muli %add3A_543, %mul3A_565 : i32
          %mul3A_567 = arith.constant 16 : i32
          %mul3A_568 = arith.muli %scan3A_564, %mul3A_567 : i32
          %add3A_569 = arith.addi %mul3A_566, %mul3A_568 : i32
          %get3A_570 = arith.index_cast %add3A_569 : i32 to index
          %get3A_571 = tpu.vector_load %arg5[%get3A_570] {strides = array<i32>} : memref<25600xi32, #tpu.memory_space<vmem>>, vector<16xi32>,
          %shift_right_logical3A_572 = arith.constant 2 : i32
          %shift_right_logical3A_573 = vector.broadcast %shift_right_logical3A_572 : i32 to vector<16xi32>
          %shift_right_logical3A_574 = arith.shrui %get3A_571, %shift_right_logical3A_573 : vector<16xi32>
          %mul3A_575 = arith.constant 16 : i32
          %mul3A_576 = arith.muli %scan3A_564, %mul3A_575 : i32
          %swap3A_577 = arith.index_cast %mul3A_576 : i32 to index
          %swap3A_578 = tpu.vector_load %arg6[%swap3A_577] {strides = array<i32>} : memref<200xi32, #tpu.memory_space<vmem>>, vector<16xi32>,
          tpu.vector_store %arg6[%swap3A_577], %shift_right_logical3A_574 {strides = array<i32>} : memref<200xi32, #tpu.memory_space<vmem>>, vector<16xi32>,
        }
        %scan3A_549 = arith.constant 12 : i32
        %mul3A_550 = arith.constant 200 : i32
        %mul3A_551 = arith.muli %add3A_543, %mul3A_550 : i32
        %add3A_552 = arith.constant 184 : i32
        %add3A_553 = arith.addi %mul3A_551, %add3A_552 : i32
        %get3A_554 = arith.index_cast %add3A_553 : i32 to index
        %get3A_555 = tpu.vector_load %arg5[%get3A_554] {strides = array<i32>} : memref<25600xi32, #tpu.memory_space<vmem>>, vector<16xi32>,
        %shift_right_logical3A_556 = arith.constant 2 : i32
        %shift_right_logical3A_557 = vector.broadcast %shift_right_logical3A_556 : i32 to vector<16xi32>
        %shift_right_logical3A_558 = arith.shrui %get3A_555, %shift_right_logical3A_557 : vector<16xi32>
        %swap3A_559 = arith.constant 184 : index
        %swap3A_560 = tpu.vector_load %arg6[%swap3A_559] {strides = array<i32>} : memref<200xi32, #tpu.memory_space<vmem>>, vector<16xi32>,
        tpu.vector_store %arg6[%swap3A_559], %shift_right_logical3A_558 {strides = array<i32>} : memref<200xi32, #tpu.memory_space<vmem>>, vector<16xi32>,
        %dma_start3A_561 = arith.constant 0 : i32
        %dma_start3A_562 = arith.constant 0 : i32
        %dma_start3A_563 = tpu.memref_slice %arg3[%dma_start3A_561, %dma_start3A_562] : memref<250000x128xf32, #tpu.memory_space<hbm>> -> memref<250000x128xf32, #tpu.memory_space<hbm>>
        tpu.enqueue_indirect_dma source(%dma_start3A_563 : memref<250000x128xf32, #tpu.memory_space<hbm>>) target(%arg8 : memref<200x128xf32, #tpu.memory_space<vmem>>) offsets(%arg6 : memref<200xi32, #tpu.memory_space<vmem>>) semaphore(%arg12 : memref<!tpu.dma_semaphore, #tpu.memory_space<semaphore_mem>>)
      } else {
      }
      %gt3A_306 = arith.constant 0 : i32
      %gt3A_307 = arith.cmpi sgt, %scan3A_72, %gt3A_306 : i32
      %convert_element_type3A_308 = arith.extui %gt3A_307 : i1 to i32
      %cond3A_309 = arith.constant 0 : i32
      %cond3A_310 = arith.cmpi ne, %convert_element_type3A_308, %cond3A_309 : i32
      scf.if %cond3A_310 {
        %sub3A_542 = arith.constant 1 : i32
        %sub3A_543 = arith.subi %mul3A_74, %sub3A_542 : i32
        %mul3A_544 = arith.constant 4 : i32
        %mul3A_545 = arith.muli %sub3A_543, %mul3A_544 : i32
        %add3A_546 = arith.addi %select_n3A, %mul3A_545 : i32
        %multiple_of3A_547 = tpu.assume_multiple %add3A_546, 4 : i32
        %dma_wait3A_548 = tpu.memref_reshape %arg11 : memref<200x32xf32, #tpu.memory_space<vmem>> -> memref<4x50x32xf32, #tpu.memory_space<vmem>>
        %dma_wait3A_549 = arith.constant 0 : i32
        %dma_wait3A_550 = arith.constant 0 : i32
        %dma_wait3A_551 = tpu.memref_slice %arg4[%multiple_of3A_547, %dma_wait3A_549, %dma_wait3A_550] : memref<16384x50x32xf32, #tpu.memory_space<hbm>> -> memref<4x50x32xf32, #tpu.memory_space<hbm>>
        %dma_wait3A_552 = arith.constant 0 : i32
        %dma_wait3A_553 = arith.constant 0 : i32
        %dma_wait3A_554 = tpu.memref_slice %arg4[%multiple_of3A_547, %dma_wait3A_552, %dma_wait3A_553] : memref<16384x50x32xf32, #tpu.memory_space<hbm>> -> memref<4x50x32xf32, #tpu.memory_space<hbm>>
        %dma_wait3A_555 = tpu.memref_reshape %arg11 : memref<200x32xf32, #tpu.memory_space<vmem>> -> memref<4x50x32xf32, #tpu.memory_space<vmem>>
        tpu.wait_dma2 semaphore(%arg15 : memref<!tpu.dma_semaphore, #tpu.memory_space<semaphore_mem>>) src(%dma_wait3A_555 : memref<4x50x32xf32, #tpu.memory_space<vmem>>) dst(%dma_wait3A_554 : memref<4x50x32xf32, #tpu.memory_space<hbm>>)
      } else {
      }
      %add3A_311 = arith.constant 1 : i32
      %add3A_312 = arith.addi %mul3A_74, %add3A_311 : i32
      %scan3A_313 = arith.constant 0 : i32
      %scan3A_314 = arith.constant 0 : i32
      %scan3A_315 = arith.constant 12 : i32
      %scan3A_316 = arith.addi %scan3A_314, %scan3A_315 : i32
      %scan3A_317 = arith.constant 1 : i32
      scf.for %scan3A_542 = %scan3A_314 to %scan3A_316 step %scan3A_317  : i32 {
        %mul3A_543 = arith.constant 200 : i32
        %mul3A_544 = arith.muli %add3A_312, %mul3A_543 : i32
        %mul3A_545 = arith.constant 16 : i32
        %mul3A_546 = arith.muli %scan3A_542, %mul3A_545 : i32
        %add3A_547 = arith.addi %mul3A_544, %mul3A_546 : i32
        %get3A_548 = arith.index_cast %add3A_547 : i32 to index
        %get3A_549 = tpu.vector_load %arg5[%get3A_548] {strides = array<i32>} : memref<25600xi32, #tpu.memory_space<vmem>>, vector<16xi32>,
        %and3A_550 = arith.constant 3 : i32
        %and3A_551 = vector.broadcast %and3A_550 : i32 to vector<16xi32>
        %and3A_552 = arith.andi %get3A_549, %and3A_551 : vector<16xi32>
        %shift_left3A_553 = arith.constant 5 : i32
        %shift_left3A_554 = vector.broadcast %shift_left3A_553 : i32 to vector<16xi32>
        %shift_left3A_555 = arith.shli %and3A_552, %shift_left3A_554 : vector<16xi32>
        %mul3A_556 = arith.constant 16 : i32
        %mul3A_557 = arith.muli %scan3A_542, %mul3A_556 : i32
        %add3A_558 = arith.constant 0 : i32
        %add3A_559 = arith.addi %mul3A_557, %add3A_558 : i32
        %slice3A_560 = vector.extract_strided_slice %shift_left3A_555 {offsets = [0], sizes = [1], strides = [1]} : vector<16xi32> to vector<1xi32>
        %squeeze3A_561 = vector.extract %slice3A_560[0] : i32 from vector<1xi32>
        %add3A_562 = arith.constant 0 : i32
        %add3A_563 = arith.addi %squeeze3A_561, %add3A_562 : i32
        %get3A_564 = arith.index_cast %add3A_559 : i32 to index
        %get3A_565 = arith.index_cast %add3A_563 : i32 to index
        %get3A_566 = tpu.vector_load %arg9[%get3A_564, %get3A_565] {strides = array<i32>} : memref<200x128xf32, #tpu.memory_space<vmem>>, vector<16xf32>,
        %swap3A_567 = arith.index_cast %add3A_559 : i32 to index
        %swap3A_568 = arith.constant 0 : index
        %swap3A_569 = tpu.vector_load %arg11[%swap3A_567, %swap3A_568] {strides = array<i32>} : memref<200x32xf32, #tpu.memory_space<vmem>>, vector<16xf32>,
        tpu.vector_store %arg11[%swap3A_567, %swap3A_568], %get3A_566 {strides = array<i32>} : memref<200x32xf32, #tpu.memory_space<vmem>>, vector<16xf32>,
        %slice3A_570 = vector.extract_strided_slice %shift_left3A_555 {offsets = [0], sizes = [1], strides = [1]} : vector<16xi32> to vector<1xi32>
        %squeeze3A_571 = vector.extract %slice3A_570[0] : i32 from vector<1xi32>
        %add3A_572 = arith.constant 16 : i32
        %add3A_573 = arith.addi %squeeze3A_571, %add3A_572 : i32
        %get3A_574 = arith.index_cast %add3A_559 : i32 to index
        %get3A_575 = arith.index_cast %add3A_573 : i32 to index
        %get3A_576 = tpu.vector_load %arg9[%get3A_574, %get3A_575] {strides = array<i32>} : memref<200x128xf32, #tpu.memory_space<vmem>>, vector<16xf32>,
        %swap3A_577 = arith.index_cast %add3A_559 : i32 to index
        %swap3A_578 = arith.constant 16 : index
        %swap3A_579 = tpu.vector_load %arg11[%swap3A_577, %swap3A_578] {strides = array<i32>} : memref<200x32xf32, #tpu.memory_space<vmem>>, vector<16xf32>,
        tpu.vector_store %arg11[%swap3A_577, %swap3A_578], %get3A_576 {strides = array<i32>} : memref<200x32xf32, #tpu.memory_space<vmem>>, vector<16xf32>,
        %mul3A_580 = arith.constant 16 : i32
        %mul3A_581 = arith.muli %scan3A_542, %mul3A_580 : i32
        %add3A_582 = arith.constant 1 : i32
        %add3A_583 = arith.addi %mul3A_581, %add3A_582 : i32
        %slice3A_584 = vector.extract_strided_slice %shift_left3A_555 {offsets = [1], sizes = [1], strides = [1]} : vector<16xi32> to vector<1xi32>
        %squeeze3A_585 = vector.extract %slice3A_584[0] : i32 from vector<1xi32>
        %add3A_586 = arith.constant 0 : i32
        %add3A_587 = arith.addi %squeeze3A_585, %add3A_586 : i32
        %get3A_588 = arith.index_cast %add3A_583 : i32 to index
        %get3A_589 = arith.index_cast %add3A_587 : i32 to index
        %get3A_590 = tpu.vector_load %arg9[%get3A_588, %get3A_589] {strides = array<i32>} : memref<200x128xf32, #tpu.memory_space<vmem>>, vector<16xf32>,
        %swap3A_591 = arith.index_cast %add3A_583 : i32 to index
        %swap3A_592 = arith.constant 0 : index
        %swap3A_593 = tpu.vector_load %arg11[%swap3A_591, %swap3A_592] {strides = array<i32>} : memref<200x32xf32, #tpu.memory_space<vmem>>, vector<16xf32>,
        tpu.vector_store %arg11[%swap3A_591, %swap3A_592], %get3A_590 {strides = array<i32>} : memref<200x32xf32, #tpu.memory_space<vmem>>, vector<16xf32>,
        %slice3A_594 = vector.extract_strided_slice %shift_left3A_555 {offsets = [1], sizes = [1], strides = [1]} : vector<16xi32> to vector<1xi32>
        %squeeze3A_595 = vector.extract %slice3A_594[0] : i32 from vector<1xi32>
        %add3A_596 = arith.constant 16 : i32
        %add3A_597 = arith.addi %squeeze3A_595, %add3A_596 : i32
        %get3A_598 = arith.index_cast %add3A_583 : i32 to index
        %get3A_599 = arith.index_cast %add3A_597 : i32 to index
        %get3A_600 = tpu.vector_load %arg9[%get3A_598, %get3A_599] {strides = array<i32>} : memref<200x128xf32, #tpu.memory_space<vmem>>, vector<16xf32>,
        %swap3A_601 = arith.index_cast %add3A_583 : i32 to index
        %swap3A_602 = arith.constant 16 : index
        %swap3A_603 = tpu.vector_load %arg11[%swap3A_601, %swap3A_602] {strides = array<i32>} : memref<200x32xf32, #tpu.memory_space<vmem>>, vector<16xf32>,
        tpu.vector_store %arg11[%swap3A_601, %swap3A_602], %get3A_600 {strides = array<i32>} : memref<200x32xf32, #tpu.memory_space<vmem>>, vector<16xf32>,
        %mul3A_604 = arith.constant 16 : i32
        %mul3A_605 = arith.muli %scan3A_542, %mul3A_604 : i32
        %add3A_606 = arith.constant 2 : i32
        %add3A_607 = arith.addi %mul3A_605, %add3A_606 : i32
        %slice3A_608 = vector.extract_strided_slice %shift_left3A_555 {offsets = [2], sizes = [1], strides = [1]} : vector<16xi32> to vector<1xi32>
        %squeeze3A_609 = vector.extract %slice3A_608[0] : i32 from vector<1xi32>
        %add3A_610 = arith.constant 0 : i32
        %add3A_611 = arith.addi %squeeze3A_609, %add3A_610 : i32
        %get3A_612 = arith.index_cast %add3A_607 : i32 to index
        %get3A_613 = arith.index_cast %add3A_611 : i32 to index
        %get3A_614 = tpu.vector_load %arg9[%get3A_612, %get3A_613] {strides = array<i32>} : memref<200x128xf32, #tpu.memory_space<vmem>>, vector<16xf32>,
        %swap3A_615 = arith.index_cast %add3A_607 : i32 to index
        %swap3A_616 = arith.constant 0 : index
        %swap3A_617 = tpu.vector_load %arg11[%swap3A_615, %swap3A_616] {strides = array<i32>} : memref<200x32xf32, #tpu.memory_space<vmem>>, vector<16xf32>,
        tpu.vector_store %arg11[%swap3A_615, %swap3A_616], %get3A_614 {strides = array<i32>} : memref<200x32xf32, #tpu.memory_space<vmem>>, vector<16xf32>,
        %slice3A_618 = vector.extract_strided_slice %shift_left3A_555 {offsets = [2], sizes = [1], strides = [1]} : vector<16xi32> to vector<1xi32>
        %squeeze3A_619 = vector.extract %slice3A_618[0] : i32 from vector<1xi32>
        %add3A_620 = arith.constant 16 : i32
        %add3A_621 = arith.addi %squeeze3A_619, %add3A_620 : i32
        %get3A_622 = arith.index_cast %add3A_607 : i32 to index
        %get3A_623 = arith.index_cast %add3A_621 : i32 to index
        %get3A_624 = tpu.vector_load %arg9[%get3A_622, %get3A_623] {strides = array<i32>} : memref<200x128xf32, #tpu.memory_space<vmem>>, vector<16xf32>,
        %swap3A_625 = arith.index_cast %add3A_607 : i32 to index
        %swap3A_626 = arith.constant 16 : index
        %swap3A_627 = tpu.vector_load %arg11[%swap3A_625, %swap3A_626] {strides = array<i32>} : memref<200x32xf32, #tpu.memory_space<vmem>>, vector<16xf32>,
        tpu.vector_store %arg11[%swap3A_625, %swap3A_626], %get3A_624 {strides = array<i32>} : memref<200x32xf32, #tpu.memory_space<vmem>>, vector<16xf32>,
        %mul3A_628 = arith.constant 16 : i32
        %mul3A_629 = arith.muli %scan3A_542, %mul3A_628 : i32
        %add3A_630 = arith.constant 3 : i32
        %add3A_631 = arith.addi %mul3A_629, %add3A_630 : i32
        %slice3A_632 = vector.extract_strided_slice %shift_left3A_555 {offsets = [3], sizes = [1], strides = [1]} : vector<16xi32> to vector<1xi32>
        %squeeze3A_633 = vector.extract %slice3A_632[0] : i32 from vector<1xi32>
        %add3A_634 = arith.constant 0 : i32
        %add3A_635 = arith.addi %squeeze3A_633, %add3A_634 : i32
        %get3A_636 = arith.index_cast %add3A_631 : i32 to index
        %get3A_637 = arith.index_cast %add3A_635 : i32 to index
        %get3A_638 = tpu.vector_load %arg9[%get3A_636, %get3A_637] {strides = array<i32>} : memref<200x128xf32, #tpu.memory_space<vmem>>, vector<16xf32>,
        %swap3A_639 = arith.index_cast %add3A_631 : i32 to index
        %swap3A_640 = arith.constant 0 : index
        %swap3A_641 = tpu.vector_load %arg11[%swap3A_639, %swap3A_640] {strides = array<i32>} : memref<200x32xf32, #tpu.memory_space<vmem>>, vector<16xf32>,
        tpu.vector_store %arg11[%swap3A_639, %swap3A_640], %get3A_638 {strides = array<i32>} : memref<200x32xf32, #tpu.memory_space<vmem>>, vector<16xf32>,
        %slice3A_642 = vector.extract_strided_slice %shift_left3A_555 {offsets = [3], sizes = [1], strides = [1]} : vector<16xi32> to vector<1xi32>
        %squeeze3A_643 = vector.extract %slice3A_642[0] : i32 from vector<1xi32>
        %add3A_644 = arith.constant 16 : i32
        %add3A_645 = arith.addi %squeeze3A_643, %add3A_644 : i32
        %get3A_646 = arith.index_cast %add3A_631 : i32 to index
        %get3A_647 = arith.index_cast %add3A_645 : i32 to index
        %get3A_648 = tpu.vector_load %arg9[%get3A_646, %get3A_647] {strides = array<i32>} : memref<200x128xf32, #tpu.memory_space<vmem>>, vector<16xf32>,
        %swap3A_649 = arith.index_cast %add3A_631 : i32 to index
        %swap3A_650 = arith.constant 16 : index
        %swap3A_651 = tpu.vector_load %arg11[%swap3A_649, %swap3A_650] {strides = array<i32>} : memref<200x32xf32, #tpu.memory_space<vmem>>, vector<16xf32>,
        tpu.vector_store %arg11[%swap3A_649, %swap3A_650], %get3A_648 {strides = array<i32>} : memref<200x32xf32, #tpu.memory_space<vmem>>, vector<16xf32>,
        %mul3A_652 = arith.constant 16 : i32
        %mul3A_653 = arith.muli %scan3A_542, %mul3A_652 : i32
        %add3A_654 = arith.constant 4 : i32
        %add3A_655 = arith.addi %mul3A_653, %add3A_654 : i32
        %slice3A_656 = vector.extract_strided_slice %shift_left3A_555 {offsets = [4], sizes = [1], strides = [1]} : vector<16xi32> to vector<1xi32>
        %squeeze3A_657 = vector.extract %slice3A_656[0] : i32 from vector<1xi32>
        %add3A_658 = arith.constant 0 : i32
        %add3A_659 = arith.addi %squeeze3A_657, %add3A_658 : i32
        %get3A_660 = arith.index_cast %add3A_655 : i32 to index
        %get3A_661 = arith.index_cast %add3A_659 : i32 to index
        %get3A_662 = tpu.vector_load %arg9[%get3A_660, %get3A_661] {strides = array<i32>} : memref<200x128xf32, #tpu.memory_space<vmem>>, vector<16xf32>,
        %swap3A_663 = arith.index_cast %add3A_655 : i32 to index
        %swap3A_664 = arith.constant 0 : index
        %swap3A_665 = tpu.vector_load %arg11[%swap3A_663, %swap3A_664] {strides = array<i32>} : memref<200x32xf32, #tpu.memory_space<vmem>>, vector<16xf32>,
        tpu.vector_store %arg11[%swap3A_663, %swap3A_664], %get3A_662 {strides = array<i32>} : memref<200x32xf32, #tpu.memory_space<vmem>>, vector<16xf32>,
        %slice3A_666 = vector.extract_strided_slice %shift_left3A_555 {offsets = [4], sizes = [1], strides = [1]} : vector<16xi32> to vector<1xi32>
        %squeeze3A_667 = vector.extract %slice3A_666[0] : i32 from vector<1xi32>
        %add3A_668 = arith.constant 16 : i32
        %add3A_669 = arith.addi %squeeze3A_667, %add3A_668 : i32
        %get3A_670 = arith.index_cast %add3A_655 : i32 to index
        %get3A_671 = arith.index_cast %add3A_669 : i32 to index
        %get3A_672 = tpu.vector_load %arg9[%get3A_670, %get3A_671] {strides = array<i32>} : memref<200x128xf32, #tpu.memory_space<vmem>>, vector<16xf32>,
        %swap3A_673 = arith.index_cast %add3A_655 : i32 to index
        %swap3A_674 = arith.constant 16 : index
        %swap3A_675 = tpu.vector_load %arg11[%swap3A_673, %swap3A_674] {strides = array<i32>} : memref<200x32xf32, #tpu.memory_space<vmem>>, vector<16xf32>,
        tpu.vector_store %arg11[%swap3A_673, %swap3A_674], %get3A_672 {strides = array<i32>} : memref<200x32xf32, #tpu.memory_space<vmem>>, vector<16xf32>,
        %mul3A_676 = arith.constant 16 : i32
        %mul3A_677 = arith.muli %scan3A_542, %mul3A_676 : i32
        %add3A_678 = arith.constant 5 : i32
        %add3A_679 = arith.addi %mul3A_677, %add3A_678 : i32
        %slice3A_680 = vector.extract_strided_slice %shift_left3A_555 {offsets = [5], sizes = [1], strides = [1]} : vector<16xi32> to vector<1xi32>
        %squeeze3A_681 = vector.extract %slice3A_680[0] : i32 from vector<1xi32>
        %add3A_682 = arith.constant 0 : i32
        %add3A_683 = arith.addi %squeeze3A_681, %add3A_682 : i32
        %get3A_684 = arith.index_cast %add3A_679 : i32 to index
        %get3A_685 = arith.index_cast %add3A_683 : i32 to index
        %get3A_686 = tpu.vector_load %arg9[%get3A_684, %get3A_685] {strides = array<i32>} : memref<200x128xf32, #tpu.memory_space<vmem>>, vector<16xf32>,
        %swap3A_687 = arith.index_cast %add3A_679 : i32 to index
        %swap3A_688 = arith.constant 0 : index
        %swap3A_689 = tpu.vector_load %arg11[%swap3A_687, %swap3A_688] {strides = array<i32>} : memref<200x32xf32, #tpu.memory_space<vmem>>, vector<16xf32>,
        tpu.vector_store %arg11[%swap3A_687, %swap3A_688], %get3A_686 {strides = array<i32>} : memref<200x32xf32, #tpu.memory_space<vmem>>, vector<16xf32>,
        %slice3A_690 = vector.extract_strided_slice %shift_left3A_555 {offsets = [5], sizes = [1], strides = [1]} : vector<16xi32> to vector<1xi32>
        %squeeze3A_691 = vector.extract %slice3A_690[0] : i32 from vector<1xi32>
        %add3A_692 = arith.constant 16 : i32
        %add3A_693 = arith.addi %squeeze3A_691, %add3A_692 : i32
        %get3A_694 = arith.index_cast %add3A_679 : i32 to index
        %get3A_695 = arith.index_cast %add3A_693 : i32 to index
        %get3A_696 = tpu.vector_load %arg9[%get3A_694, %get3A_695] {strides = array<i32>} : memref<200x128xf32, #tpu.memory_space<vmem>>, vector<16xf32>,
        %swap3A_697 = arith.index_cast %add3A_679 : i32 to index
        %swap3A_698 = arith.constant 16 : index
        %swap3A_699 = tpu.vector_load %arg11[%swap3A_697, %swap3A_698] {strides = array<i32>} : memref<200x32xf32, #tpu.memory_space<vmem>>, vector<16xf32>,
        tpu.vector_store %arg11[%swap3A_697, %swap3A_698], %get3A_696 {strides = array<i32>} : memref<200x32xf32, #tpu.memory_space<vmem>>, vector<16xf32>,
        %mul3A_700 = arith.constant 16 : i32
        %mul3A_701 = arith.muli %scan3A_542, %mul3A_700 : i32
        %add3A_702 = arith.constant 6 : i32
        %add3A_703 = arith.addi %mul3A_701, %add3A_702 : i32
        %slice3A_704 = vector.extract_strided_slice %shift_left3A_555 {offsets = [6], sizes = [1], strides = [1]} : vector<16xi32> to vector<1xi32>
        %squeeze3A_705 = vector.extract %slice3A_704[0] : i32 from vector<1xi32>
        %add3A_706 = arith.constant 0 : i32
        %add3A_707 = arith.addi %squeeze3A_705, %add3A_706 : i32
        %get3A_708 = arith.index_cast %add3A_703 : i32 to index
        %get3A_709 = arith.index_cast %add3A_707 : i32 to index
        %get3A_710 = tpu.vector_load %arg9[%get3A_708, %get3A_709] {strides = array<i32>} : memref<200x128xf32, #tpu.memory_space<vmem>>, vector<16xf32>,
        %swap3A_711 = arith.index_cast %add3A_703 : i32 to index
        %swap3A_712 = arith.constant 0 : index
        %swap3A_713 = tpu.vector_load %arg11[%swap3A_711, %swap3A_712] {strides = array<i32>} : memref<200x32xf32, #tpu.memory_space<vmem>>, vector<16xf32>,
        tpu.vector_store %arg11[%swap3A_711, %swap3A_712], %get3A_710 {strides = array<i32>} : memref<200x32xf32, #tpu.memory_space<vmem>>, vector<16xf32>,
        %slice3A_714 = vector.extract_strided_slice %shift_left3A_555 {offsets = [6], sizes = [1], strides = [1]} : vector<16xi32> to vector<1xi32>
        %squeeze3A_715 = vector.extract %slice3A_714[0] : i32 from vector<1xi32>
        %add3A_716 = arith.constant 16 : i32
        %add3A_717 = arith.addi %squeeze3A_715, %add3A_716 : i32
        %get3A_718 = arith.index_cast %add3A_703 : i32 to index
        %get3A_719 = arith.index_cast %add3A_717 : i32 to index
        %get3A_720 = tpu.vector_load %arg9[%get3A_718, %get3A_719] {strides = array<i32>} : memref<200x128xf32, #tpu.memory_space<vmem>>, vector<16xf32>,
        %swap3A_721 = arith.index_cast %add3A_703 : i32 to index
        %swap3A_722 = arith.constant 16 : index
        %swap3A_723 = tpu.vector_load %arg11[%swap3A_721, %swap3A_722] {strides = array<i32>} : memref<200x32xf32, #tpu.memory_space<vmem>>, vector<16xf32>,
        tpu.vector_store %arg11[%swap3A_721, %swap3A_722], %get3A_720 {strides = array<i32>} : memref<200x32xf32, #tpu.memory_space<vmem>>, vector<16xf32>,
        %mul3A_724 = arith.constant 16 : i32
        %mul3A_725 = arith.muli %scan3A_542, %mul3A_724 : i32
        %add3A_726 = arith.constant 7 : i32
        %add3A_727 = arith.addi %mul3A_725, %add3A_726 : i32
        %slice3A_728 = vector.extract_strided_slice %shift_left3A_555 {offsets = [7], sizes = [1], strides = [1]} : vector<16xi32> to vector<1xi32>
        %squeeze3A_729 = vector.extract %slice3A_728[0] : i32 from vector<1xi32>
        %add3A_730 = arith.constant 0 : i32
        %add3A_731 = arith.addi %squeeze3A_729, %add3A_730 : i32
        %get3A_732 = arith.index_cast %add3A_727 : i32 to index
        %get3A_733 = arith.index_cast %add3A_731 : i32 to index
        %get3A_734 = tpu.vector_load %arg9[%get3A_732, %get3A_733] {strides = array<i32>} : memref<200x128xf32, #tpu.memory_space<vmem>>, vector<16xf32>,
        %swap3A_735 = arith.index_cast %add3A_727 : i32 to index
        %swap3A_736 = arith.constant 0 : index
        %swap3A_737 = tpu.vector_load %arg11[%swap3A_735, %swap3A_736] {strides = array<i32>} : memref<200x32xf32, #tpu.memory_space<vmem>>, vector<16xf32>,
        tpu.vector_store %arg11[%swap3A_735, %swap3A_736], %get3A_734 {strides = array<i32>} : memref<200x32xf32, #tpu.memory_space<vmem>>, vector<16xf32>,
        %slice3A_738 = vector.extract_strided_slice %shift_left3A_555 {offsets = [7], sizes = [1], strides = [1]} : vector<16xi32> to vector<1xi32>
        %squeeze3A_739 = vector.extract %slice3A_738[0] : i32 from vector<1xi32>
        %add3A_740 = arith.constant 16 : i32
        %add3A_741 = arith.addi %squeeze3A_739, %add3A_740 : i32
        %get3A_742 = arith.index_cast %add3A_727 : i32 to index
        %get3A_743 = arith.index_cast %add3A_741 : i32 to index
        %get3A_744 = tpu.vector_load %arg9[%get3A_742, %get3A_743] {strides = array<i32>} : memref<200x128xf32, #tpu.memory_space<vmem>>, vector<16xf32>,
        %swap3A_745 = arith.index_cast %add3A_727 : i32 to index
        %swap3A_746 = arith.constant 16 : index
        %swap3A_747 = tpu.vector_load %arg11[%swap3A_745, %swap3A_746] {strides = array<i32>} : memref<200x32xf32, #tpu.memory_space<vmem>>, vector<16xf32>,
        tpu.vector_store %arg11[%swap3A_745, %swap3A_746], %get3A_744 {strides = array<i32>} : memref<200x32xf32, #tpu.memory_space<vmem>>, vector<16xf32>,
        %mul3A_748 = arith.constant 16 : i32
        %mul3A_749 = arith.muli %scan3A_542, %mul3A_748 : i32
        %add3A_750 = arith.constant 8 : i32
        %add3A_751 = arith.addi %mul3A_749, %add3A_750 : i32
        %slice3A_752 = vector.extract_strided_slice %shift_left3A_555 {offsets = [8], sizes = [1], strides = [1]} : vector<16xi32> to vector<1xi32>
        %squeeze3A_753 = vector.extract %slice3A_752[0] : i32 from vector<1xi32>
        %add3A_754 = arith.constant 0 : i32
        %add3A_755 = arith.addi %squeeze3A_753, %add3A_754 : i32
        %get3A_756 = arith.index_cast %add3A_751 : i32 to index
        %get3A_757 = arith.index_cast %add3A_755 : i32 to index
        %get3A_758 = tpu.vector_load %arg9[%get3A_756, %get3A_757] {strides = array<i32>} : memref<200x128xf32, #tpu.memory_space<vmem>>, vector<16xf32>,
        %swap3A_759 = arith.index_cast %add3A_751 : i32 to index
        %swap3A_760 = arith.constant 0 : index
        %swap3A_761 = tpu.vector_load %arg11[%swap3A_759, %swap3A_760] {strides = array<i32>} : memref<200x32xf32, #tpu.memory_space<vmem>>, vector<16xf32>,
        tpu.vector_store %arg11[%swap3A_759, %swap3A_760], %get3A_758 {strides = array<i32>} : memref<200x32xf32, #tpu.memory_space<vmem>>, vector<16xf32>,
        %slice3A_762 = vector.extract_strided_slice %shift_left3A_555 {offsets = [8], sizes = [1], strides = [1]} : vector<16xi32> to vector<1xi32>
        %squeeze3A_763 = vector.extract %slice3A_762[0] : i32 from vector<1xi32>
        %add3A_764 = arith.constant 16 : i32
        %add3A_765 = arith.addi %squeeze3A_763, %add3A_764 : i32
        %get3A_766 = arith.index_cast %add3A_751 : i32 to index
        %get3A_767 = arith.index_cast %add3A_765 : i32 to index
        %get3A_768 = tpu.vector_load %arg9[%get3A_766, %get3A_767] {strides = array<i32>} : memref<200x128xf32, #tpu.memory_space<vmem>>, vector<16xf32>,
        %swap3A_769 = arith.index_cast %add3A_751 : i32 to index
        %swap3A_770 = arith.constant 16 : index
        %swap3A_771 = tpu.vector_load %arg11[%swap3A_769, %swap3A_770] {strides = array<i32>} : memref<200x32xf32, #tpu.memory_space<vmem>>, vector<16xf32>,
        tpu.vector_store %arg11[%swap3A_769, %swap3A_770], %get3A_768 {strides = array<i32>} : memref<200x32xf32, #tpu.memory_space<vmem>>, vector<16xf32>,
        %mul3A_772 = arith.constant 16 : i32
        %mul3A_773 = arith.muli %scan3A_542, %mul3A_772 : i32
        %add3A_774 = arith.constant 9 : i32
        %add3A_775 = arith.addi %mul3A_773, %add3A_774 : i32
        %slice3A_776 = vector.extract_strided_slice %shift_left3A_555 {offsets = [9], sizes = [1], strides = [1]} : vector<16xi32> to vector<1xi32>
        %squeeze3A_777 = vector.extract %slice3A_776[0] : i32 from vector<1xi32>
        %add3A_778 = arith.constant 0 : i32
        %add3A_779 = arith.addi %squeeze3A_777, %add3A_778 : i32
        %get3A_780 = arith.index_cast %add3A_775 : i32 to index
        %get3A_781 = arith.index_cast %add3A_779 : i32 to index
        %get3A_782 = tpu.vector_load %arg9[%get3A_780, %get3A_781] {strides = array<i32>} : memref<200x128xf32, #tpu.memory_space<vmem>>, vector<16xf32>,
        %swap3A_783 = arith.index_cast %add3A_775 : i32 to index
        %swap3A_784 = arith.constant 0 : index
        %swap3A_785 = tpu.vector_load %arg11[%swap3A_783, %swap3A_784] {strides = array<i32>} : memref<200x32xf32, #tpu.memory_space<vmem>>, vector<16xf32>,
        tpu.vector_store %arg11[%swap3A_783, %swap3A_784], %get3A_782 {strides = array<i32>} : memref<200x32xf32, #tpu.memory_space<vmem>>, vector<16xf32>,
        %slice3A_786 = vector.extract_strided_slice %shift_left3A_555 {offsets = [9], sizes = [1], strides = [1]} : vector<16xi32> to vector<1xi32>
        %squeeze3A_787 = vector.extract %slice3A_786[0] : i32 from vector<1xi32>
        %add3A_788 = arith.constant 16 : i32
        %add3A_789 = arith.addi %squeeze3A_787, %add3A_788 : i32
        %get3A_790 = arith.index_cast %add3A_775 : i32 to index
        %get3A_791 = arith.index_cast %add3A_789 : i32 to index
        %get3A_792 = tpu.vector_load %arg9[%get3A_790, %get3A_791] {strides = array<i32>} : memref<200x128xf32, #tpu.memory_space<vmem>>, vector<16xf32>,
        %swap3A_793 = arith.index_cast %add3A_775 : i32 to index
        %swap3A_794 = arith.constant 16 : index
        %swap3A_795 = tpu.vector_load %arg11[%swap3A_793, %swap3A_794] {strides = array<i32>} : memref<200x32xf32, #tpu.memory_space<vmem>>, vector<16xf32>,
        tpu.vector_store %arg11[%swap3A_793, %swap3A_794], %get3A_792 {strides = array<i32>} : memref<200x32xf32, #tpu.memory_space<vmem>>, vector<16xf32>,
        %mul3A_796 = arith.constant 16 : i32
        %mul3A_797 = arith.muli %scan3A_542, %mul3A_796 : i32
        %add3A_798 = arith.constant 10 : i32
        %add3A_799 = arith.addi %mul3A_797, %add3A_798 : i32
        %slice3A_800 = vector.extract_strided_slice %shift_left3A_555 {offsets = [10], sizes = [1], strides = [1]} : vector<16xi32> to vector<1xi32>
        %squeeze3A_801 = vector.extract %slice3A_800[0] : i32 from vector<1xi32>
        %add3A_802 = arith.constant 0 : i32
        %add3A_803 = arith.addi %squeeze3A_801, %add3A_802 : i32
        %get3A_804 = arith.index_cast %add3A_799 : i32 to index
        %get3A_805 = arith.index_cast %add3A_803 : i32 to index
        %get3A_806 = tpu.vector_load %arg9[%get3A_804, %get3A_805] {strides = array<i32>} : memref<200x128xf32, #tpu.memory_space<vmem>>, vector<16xf32>,
        %swap3A_807 = arith.index_cast %add3A_799 : i32 to index
        %swap3A_808 = arith.constant 0 : index
        %swap3A_809 = tpu.vector_load %arg11[%swap3A_807, %swap3A_808] {strides = array<i32>} : memref<200x32xf32, #tpu.memory_space<vmem>>, vector<16xf32>,
        tpu.vector_store %arg11[%swap3A_807, %swap3A_808], %get3A_806 {strides = array<i32>} : memref<200x32xf32, #tpu.memory_space<vmem>>, vector<16xf32>,
        %slice3A_810 = vector.extract_strided_slice %shift_left3A_555 {offsets = [10], sizes = [1], strides = [1]} : vector<16xi32> to vector<1xi32>
        %squeeze3A_811 = vector.extract %slice3A_810[0] : i32 from vector<1xi32>
        %add3A_812 = arith.constant 16 : i32
        %add3A_813 = arith.addi %squeeze3A_811, %add3A_812 : i32
        %get3A_814 = arith.index_cast %add3A_799 : i32 to index
        %get3A_815 = arith.index_cast %add3A_813 : i32 to index
        %get3A_816 = tpu.vector_load %arg9[%get3A_814, %get3A_815] {strides = array<i32>} : memref<200x128xf32, #tpu.memory_space<vmem>>, vector<16xf32>,
        %swap3A_817 = arith.index_cast %add3A_799 : i32 to index
        %swap3A_818 = arith.constant 16 : index
        %swap3A_819 = tpu.vector_load %arg11[%swap3A_817, %swap3A_818] {strides = array<i32>} : memref<200x32xf32, #tpu.memory_space<vmem>>, vector<16xf32>,
        tpu.vector_store %arg11[%swap3A_817, %swap3A_818], %get3A_816 {strides = array<i32>} : memref<200x32xf32, #tpu.memory_space<vmem>>, vector<16xf32>,
        %mul3A_820 = arith.constant 16 : i32
        %mul3A_821 = arith.muli %scan3A_542, %mul3A_820 : i32
        %add3A_822 = arith.constant 11 : i32
        %add3A_823 = arith.addi %mul3A_821, %add3A_822 : i32
        %slice3A_824 = vector.extract_strided_slice %shift_left3A_555 {offsets = [11], sizes = [1], strides = [1]} : vector<16xi32> to vector<1xi32>
        %squeeze3A_825 = vector.extract %slice3A_824[0] : i32 from vector<1xi32>
        %add3A_826 = arith.constant 0 : i32
        %add3A_827 = arith.addi %squeeze3A_825, %add3A_826 : i32
        %get3A_828 = arith.index_cast %add3A_823 : i32 to index
        %get3A_829 = arith.index_cast %add3A_827 : i32 to index
        %get3A_830 = tpu.vector_load %arg9[%get3A_828, %get3A_829] {strides = array<i32>} : memref<200x128xf32, #tpu.memory_space<vmem>>, vector<16xf32>,
        %swap3A_831 = arith.index_cast %add3A_823 : i32 to index
        %swap3A_832 = arith.constant 0 : index
        %swap3A_833 = tpu.vector_load %arg11[%swap3A_831, %swap3A_832] {strides = array<i32>} : memref<200x32xf32, #tpu.memory_space<vmem>>, vector<16xf32>,
        tpu.vector_store %arg11[%swap3A_831, %swap3A_832], %get3A_830 {strides = array<i32>} : memref<200x32xf32, #tpu.memory_space<vmem>>, vector<16xf32>,
        %slice3A_834 = vector.extract_strided_slice %shift_left3A_555 {offsets = [11], sizes = [1], strides = [1]} : vector<16xi32> to vector<1xi32>
        %squeeze3A_835 = vector.extract %slice3A_834[0] : i32 from vector<1xi32>
        %add3A_836 = arith.constant 16 : i32
        %add3A_837 = arith.addi %squeeze3A_835, %add3A_836 : i32
        %get3A_838 = arith.index_cast %add3A_823 : i32 to index
        %get3A_839 = arith.index_cast %add3A_837 : i32 to index
        %get3A_840 = tpu.vector_load %arg9[%get3A_838, %get3A_839] {strides = array<i32>} : memref<200x128xf32, #tpu.memory_space<vmem>>, vector<16xf32>,
        %swap3A_841 = arith.index_cast %add3A_823 : i32 to index
        %swap3A_842 = arith.constant 16 : index
        %swap3A_843 = tpu.vector_load %arg11[%swap3A_841, %swap3A_842] {strides = array<i32>} : memref<200x32xf32, #tpu.memory_space<vmem>>, vector<16xf32>,
        tpu.vector_store %arg11[%swap3A_841, %swap3A_842], %get3A_840 {strides = array<i32>} : memref<200x32xf32, #tpu.memory_space<vmem>>, vector<16xf32>,
        %mul3A_844 = arith.constant 16 : i32
        %mul3A_845 = arith.muli %scan3A_542, %mul3A_844 : i32
        %add3A_846 = arith.constant 12 : i32
        %add3A_847 = arith.addi %mul3A_845, %add3A_846 : i32
        %slice3A_848 = vector.extract_strided_slice %shift_left3A_555 {offsets = [12], sizes = [1], strides = [1]} : vector<16xi32> to vector<1xi32>
        %squeeze3A_849 = vector.extract %slice3A_848[0] : i32 from vector<1xi32>
        %add3A_850 = arith.constant 0 : i32
        %add3A_851 = arith.addi %squeeze3A_849, %add3A_850 : i32
        %get3A_852 = arith.index_cast %add3A_847 : i32 to index
        %get3A_853 = arith.index_cast %add3A_851 : i32 to index
        %get3A_854 = tpu.vector_load %arg9[%get3A_852, %get3A_853] {strides = array<i32>} : memref<200x128xf32, #tpu.memory_space<vmem>>, vector<16xf32>,
        %swap3A_855 = arith.index_cast %add3A_847 : i32 to index
        %swap3A_856 = arith.constant 0 : index
        %swap3A_857 = tpu.vector_load %arg11[%swap3A_855, %swap3A_856] {strides = array<i32>} : memref<200x32xf32, #tpu.memory_space<vmem>>, vector<16xf32>,
        tpu.vector_store %arg11[%swap3A_855, %swap3A_856], %get3A_854 {strides = array<i32>} : memref<200x32xf32, #tpu.memory_space<vmem>>, vector<16xf32>,
        %slice3A_858 = vector.extract_strided_slice %shift_left3A_555 {offsets = [12], sizes = [1], strides = [1]} : vector<16xi32> to vector<1xi32>
        %squeeze3A_859 = vector.extract %slice3A_858[0] : i32 from vector<1xi32>
        %add3A_860 = arith.constant 16 : i32
        %add3A_861 = arith.addi %squeeze3A_859, %add3A_860 : i32
        %get3A_862 = arith.index_cast %add3A_847 : i32 to index
        %get3A_863 = arith.index_cast %add3A_861 : i32 to index
        %get3A_864 = tpu.vector_load %arg9[%get3A_862, %get3A_863] {strides = array<i32>} : memref<200x128xf32, #tpu.memory_space<vmem>>, vector<16xf32>,
        %swap3A_865 = arith.index_cast %add3A_847 : i32 to index
        %swap3A_866 = arith.constant 16 : index
        %swap3A_867 = tpu.vector_load %arg11[%swap3A_865, %swap3A_866] {strides = array<i32>} : memref<200x32xf32, #tpu.memory_space<vmem>>, vector<16xf32>,
        tpu.vector_store %arg11[%swap3A_865, %swap3A_866], %get3A_864 {strides = array<i32>} : memref<200x32xf32, #tpu.memory_space<vmem>>, vector<16xf32>,
        %mul3A_868 = arith.constant 16 : i32
        %mul3A_869 = arith.muli %scan3A_542, %mul3A_868 : i32
        %add3A_870 = arith.constant 13 : i32
        %add3A_871 = arith.addi %mul3A_869, %add3A_870 : i32
        %slice3A_872 = vector.extract_strided_slice %shift_left3A_555 {offsets = [13], sizes = [1], strides = [1]} : vector<16xi32> to vector<1xi32>
        %squeeze3A_873 = vector.extract %slice3A_872[0] : i32 from vector<1xi32>
        %add3A_874 = arith.constant 0 : i32
        %add3A_875 = arith.addi %squeeze3A_873, %add3A_874 : i32
        %get3A_876 = arith.index_cast %add3A_871 : i32 to index
        %get3A_877 = arith.index_cast %add3A_875 : i32 to index
        %get3A_878 = tpu.vector_load %arg9[%get3A_876, %get3A_877] {strides = array<i32>} : memref<200x128xf32, #tpu.memory_space<vmem>>, vector<16xf32>,
        %swap3A_879 = arith.index_cast %add3A_871 : i32 to index
        %swap3A_880 = arith.constant 0 : index
        %swap3A_881 = tpu.vector_load %arg11[%swap3A_879, %swap3A_880] {strides = array<i32>} : memref<200x32xf32, #tpu.memory_space<vmem>>, vector<16xf32>,
        tpu.vector_store %arg11[%swap3A_879, %swap3A_880], %get3A_878 {strides = array<i32>} : memref<200x32xf32, #tpu.memory_space<vmem>>, vector<16xf32>,
        %slice3A_882 = vector.extract_strided_slice %shift_left3A_555 {offsets = [13], sizes = [1], strides = [1]} : vector<16xi32> to vector<1xi32>
        %squeeze3A_883 = vector.extract %slice3A_882[0] : i32 from vector<1xi32>
        %add3A_884 = arith.constant 16 : i32
        %add3A_885 = arith.addi %squeeze3A_883, %add3A_884 : i32
        %get3A_886 = arith.index_cast %add3A_871 : i32 to index
        %get3A_887 = arith.index_cast %add3A_885 : i32 to index
        %get3A_888 = tpu.vector_load %arg9[%get3A_886, %get3A_887] {strides = array<i32>} : memref<200x128xf32, #tpu.memory_space<vmem>>, vector<16xf32>,
        %swap3A_889 = arith.index_cast %add3A_871 : i32 to index
        %swap3A_890 = arith.constant 16 : index
        %swap3A_891 = tpu.vector_load %arg11[%swap3A_889, %swap3A_890] {strides = array<i32>} : memref<200x32xf32, #tpu.memory_space<vmem>>, vector<16xf32>,
        tpu.vector_store %arg11[%swap3A_889, %swap3A_890], %get3A_888 {strides = array<i32>} : memref<200x32xf32, #tpu.memory_space<vmem>>, vector<16xf32>,
        %mul3A_892 = arith.constant 16 : i32
        %mul3A_893 = arith.muli %scan3A_542, %mul3A_892 : i32
        %add3A_894 = arith.constant 14 : i32
        %add3A_895 = arith.addi %mul3A_893, %add3A_894 : i32
        %slice3A_896 = vector.extract_strided_slice %shift_left3A_555 {offsets = [14], sizes = [1], strides = [1]} : vector<16xi32> to vector<1xi32>
        %squeeze3A_897 = vector.extract %slice3A_896[0] : i32 from vector<1xi32>
        %add3A_898 = arith.constant 0 : i32
        %add3A_899 = arith.addi %squeeze3A_897, %add3A_898 : i32
        %get3A_900 = arith.index_cast %add3A_895 : i32 to index
        %get3A_901 = arith.index_cast %add3A_899 : i32 to index
        %get3A_902 = tpu.vector_load %arg9[%get3A_900, %get3A_901] {strides = array<i32>} : memref<200x128xf32, #tpu.memory_space<vmem>>, vector<16xf32>,
        %swap3A_903 = arith.index_cast %add3A_895 : i32 to index
        %swap3A_904 = arith.constant 0 : index
        %swap3A_905 = tpu.vector_load %arg11[%swap3A_903, %swap3A_904] {strides = array<i32>} : memref<200x32xf32, #tpu.memory_space<vmem>>, vector<16xf32>,
        tpu.vector_store %arg11[%swap3A_903, %swap3A_904], %get3A_902 {strides = array<i32>} : memref<200x32xf32, #tpu.memory_space<vmem>>, vector<16xf32>,
        %slice3A_906 = vector.extract_strided_slice %shift_left3A_555 {offsets = [14], sizes = [1], strides = [1]} : vector<16xi32> to vector<1xi32>
        %squeeze3A_907 = vector.extract %slice3A_906[0] : i32 from vector<1xi32>
        %add3A_908 = arith.constant 16 : i32
        %add3A_909 = arith.addi %squeeze3A_907, %add3A_908 : i32
        %get3A_910 = arith.index_cast %add3A_895 : i32 to index
        %get3A_911 = arith.index_cast %add3A_909 : i32 to index
        %get3A_912 = tpu.vector_load %arg9[%get3A_910, %get3A_911] {strides = array<i32>} : memref<200x128xf32, #tpu.memory_space<vmem>>, vector<16xf32>,
        %swap3A_913 = arith.index_cast %add3A_895 : i32 to index
        %swap3A_914 = arith.constant 16 : index
        %swap3A_915 = tpu.vector_load %arg11[%swap3A_913, %swap3A_914] {strides = array<i32>} : memref<200x32xf32, #tpu.memory_space<vmem>>, vector<16xf32>,
        tpu.vector_store %arg11[%swap3A_913, %swap3A_914], %get3A_912 {strides = array<i32>} : memref<200x32xf32, #tpu.memory_space<vmem>>, vector<16xf32>,
        %mul3A_916 = arith.constant 16 : i32
        %mul3A_917 = arith.muli %scan3A_542, %mul3A_916 : i32
        %add3A_918 = arith.constant 15 : i32
        %add3A_919 = arith.addi %mul3A_917, %add3A_918 : i32
        %slice3A_920 = vector.extract_strided_slice %shift_left3A_555 {offsets = [15], sizes = [1], strides = [1]} : vector<16xi32> to vector<1xi32>
        %squeeze3A_921 = vector.extract %slice3A_920[0] : i32 from vector<1xi32>
        %add3A_922 = arith.constant 0 : i32
        %add3A_923 = arith.addi %squeeze3A_921, %add3A_922 : i32
        %get3A_924 = arith.index_cast %add3A_919 : i32 to index
        %get3A_925 = arith.index_cast %add3A_923 : i32 to index
        %get3A_926 = tpu.vector_load %arg9[%get3A_924, %get3A_925] {strides = array<i32>} : memref<200x128xf32, #tpu.memory_space<vmem>>, vector<16xf32>,
        %swap3A_927 = arith.index_cast %add3A_919 : i32 to index
        %swap3A_928 = arith.constant 0 : index
        %swap3A_929 = tpu.vector_load %arg11[%swap3A_927, %swap3A_928] {strides = array<i32>} : memref<200x32xf32, #tpu.memory_space<vmem>>, vector<16xf32>,
        tpu.vector_store %arg11[%swap3A_927, %swap3A_928], %get3A_926 {strides = array<i32>} : memref<200x32xf32, #tpu.memory_space<vmem>>, vector<16xf32>,
        %slice3A_930 = vector.extract_strided_slice %shift_left3A_555 {offsets = [15], sizes = [1], strides = [1]} : vector<16xi32> to vector<1xi32>
        %squeeze3A_931 = vector.extract %slice3A_930[0] : i32 from vector<1xi32>
        %add3A_932 = arith.constant 16 : i32
        %add3A_933 = arith.addi %squeeze3A_931, %add3A_932 : i32
        %get3A_934 = arith.index_cast %add3A_919 : i32 to index
        %get3A_935 = arith.index_cast %add3A_933 : i32 to index
        %get3A_936 = tpu.vector_load %arg9[%get3A_934, %get3A_935] {strides = array<i32>} : memref<200x128xf32, #tpu.memory_space<vmem>>, vector<16xf32>,
        %swap3A_937 = arith.index_cast %add3A_919 : i32 to index
        %swap3A_938 = arith.constant 16 : index
        %swap3A_939 = tpu.vector_load %arg11[%swap3A_937, %swap3A_938] {strides = array<i32>} : memref<200x32xf32, #tpu.memory_space<vmem>>, vector<16xf32>,
        tpu.vector_store %arg11[%swap3A_937, %swap3A_938], %get3A_936 {strides = array<i32>} : memref<200x32xf32, #tpu.memory_space<vmem>>, vector<16xf32>,
      }
      %scan3A_318 = arith.constant 12 : i32
      %mul3A_319 = arith.constant 200 : i32
      %mul3A_320 = arith.muli %add3A_312, %mul3A_319 : i32
      %add3A_321 = arith.constant 184 : i32
      %add3A_322 = arith.addi %mul3A_320, %add3A_321 : i32
      %get3A_323 = arith.index_cast %add3A_322 : i32 to index
      %get3A_324 = tpu.vector_load %arg5[%get3A_323] {strides = array<i32>} : memref<25600xi32, #tpu.memory_space<vmem>>, vector<16xi32>,
      %and3A_325 = arith.constant 3 : i32
      %and3A_326 = vector.broadcast %and3A_325 : i32 to vector<16xi32>
      %and3A_327 = arith.andi %get3A_324, %and3A_326 : vector<16xi32>
      %shift_left3A_328 = arith.constant 5 : i32
      %shift_left3A_329 = vector.broadcast %shift_left3A_328 : i32 to vector<16xi32>
      %shift_left3A_330 = arith.shli %and3A_327, %shift_left3A_329 : vector<16xi32>
      %slice3A_331 = vector.extract_strided_slice %shift_left3A_330 {offsets = [8], sizes = [1], strides = [1]} : vector<16xi32> to vector<1xi32>
      %squeeze3A_332 = vector.extract %slice3A_331[0] : i32 from vector<1xi32>
      %add3A_333 = arith.constant 0 : i32
      %add3A_334 = arith.addi %squeeze3A_332, %add3A_333 : i32
      %get3A_335 = arith.constant 192 : i32
      %get3A_336 = arith.index_cast %get3A_335 : i32 to index
      %get3A_337 = arith.index_cast %add3A_334 : i32 to index
      %get3A_338 = tpu.vector_load %arg9[%get3A_336, %get3A_337] {strides = array<i32>} : memref<200x128xf32, #tpu.memory_space<vmem>>, vector<16xf32>,
      %swap3A_339 = arith.constant 192 : i32
      %swap3A_340 = arith.index_cast %swap3A_339 : i32 to index
      %swap3A_341 = arith.constant 0 : index
      %swap3A_342 = tpu.vector_load %arg11[%swap3A_340, %swap3A_341] {strides = array<i32>} : memref<200x32xf32, #tpu.memory_space<vmem>>, vector<16xf32>,
      tpu.vector_store %arg11[%swap3A_340, %swap3A_341], %get3A_338 {strides = array<i32>} : memref<200x32xf32, #tpu.memory_space<vmem>>, vector<16xf32>,
      %slice3A_343 = vector.extract_strided_slice %shift_left3A_330 {offsets = [8], sizes = [1], strides = [1]} : vector<16xi32> to vector<1xi32>
      %squeeze3A_344 = vector.extract %slice3A_343[0] : i32 from vector<1xi32>
      %add3A_345 = arith.constant 16 : i32
      %add3A_346 = arith.addi %squeeze3A_344, %add3A_345 : i32
      %get3A_347 = arith.constant 192 : i32
      %get3A_348 = arith.index_cast %get3A_347 : i32 to index
      %get3A_349 = arith.index_cast %add3A_346 : i32 to index
      %get3A_350 = tpu.vector_load %arg9[%get3A_348, %get3A_349] {strides = array<i32>} : memref<200x128xf32, #tpu.memory_space<vmem>>, vector<16xf32>,
      %swap3A_351 = arith.constant 192 : i32
      %swap3A_352 = arith.index_cast %swap3A_351 : i32 to index
      %swap3A_353 = arith.constant 16 : index
      %swap3A_354 = tpu.vector_load %arg11[%swap3A_352, %swap3A_353] {strides = array<i32>} : memref<200x32xf32, #tpu.memory_space<vmem>>, vector<16xf32>,
      tpu.vector_store %arg11[%swap3A_352, %swap3A_353], %get3A_350 {strides = array<i32>} : memref<200x32xf32, #tpu.memory_space<vmem>>, vector<16xf32>,
      %slice3A_355 = vector.extract_strided_slice %shift_left3A_330 {offsets = [9], sizes = [1], strides = [1]} : vector<16xi32> to vector<1xi32>
      %squeeze3A_356 = vector.extract %slice3A_355[0] : i32 from vector<1xi32>
      %add3A_357 = arith.constant 0 : i32
      %add3A_358 = arith.addi %squeeze3A_356, %add3A_357 : i32
      %get3A_359 = arith.constant 193 : i32
      %get3A_360 = arith.index_cast %get3A_359 : i32 to index
      %get3A_361 = arith.index_cast %add3A_358 : i32 to index
      %get3A_362 = tpu.vector_load %arg9[%get3A_360, %get3A_361] {strides = array<i32>} : memref<200x128xf32, #tpu.memory_space<vmem>>, vector<16xf32>,
      %swap3A_363 = arith.constant 193 : i32
      %swap3A_364 = arith.index_cast %swap3A_363 : i32 to index
      %swap3A_365 = arith.constant 0 : index
      %swap3A_366 = tpu.vector_load %arg11[%swap3A_364, %swap3A_365] {strides = array<i32>} : memref<200x32xf32, #tpu.memory_space<vmem>>, vector<16xf32>,
      tpu.vector_store %arg11[%swap3A_364, %swap3A_365], %get3A_362 {strides = array<i32>} : memref<200x32xf32, #tpu.memory_space<vmem>>, vector<16xf32>,
      %slice3A_367 = vector.extract_strided_slice %shift_left3A_330 {offsets = [9], sizes = [1], strides = [1]} : vector<16xi32> to vector<1xi32>
      %squeeze3A_368 = vector.extract %slice3A_367[0] : i32 from vector<1xi32>
      %add3A_369 = arith.constant 16 : i32
      %add3A_370 = arith.addi %squeeze3A_368, %add3A_369 : i32
      %get3A_371 = arith.constant 193 : i32
      %get3A_372 = arith.index_cast %get3A_371 : i32 to index
      %get3A_373 = arith.index_cast %add3A_370 : i32 to index
      %get3A_374 = tpu.vector_load %arg9[%get3A_372, %get3A_373] {strides = array<i32>} : memref<200x128xf32, #tpu.memory_space<vmem>>, vector<16xf32>,
      %swap3A_375 = arith.constant 193 : i32
      %swap3A_376 = arith.index_cast %swap3A_375 : i32 to index
      %swap3A_377 = arith.constant 16 : index
      %swap3A_378 = tpu.vector_load %arg11[%swap3A_376, %swap3A_377] {strides = array<i32>} : memref<200x32xf32, #tpu.memory_space<vmem>>, vector<16xf32>,
      tpu.vector_store %arg11[%swap3A_376, %swap3A_377], %get3A_374 {strides = array<i32>} : memref<200x32xf32, #tpu.memory_space<vmem>>, vector<16xf32>,
      %slice3A_379 = vector.extract_strided_slice %shift_left3A_330 {offsets = [10], sizes = [1], strides = [1]} : vector<16xi32> to vector<1xi32>
      %squeeze3A_380 = vector.extract %slice3A_379[0] : i32 from vector<1xi32>
      %add3A_381 = arith.constant 0 : i32
      %add3A_382 = arith.addi %squeeze3A_380, %add3A_381 : i32
      %get3A_383 = arith.constant 194 : i32
      %get3A_384 = arith.index_cast %get3A_383 : i32 to index
      %get3A_385 = arith.index_cast %add3A_382 : i32 to index
      %get3A_386 = tpu.vector_load %arg9[%get3A_384, %get3A_385] {strides = array<i32>} : memref<200x128xf32, #tpu.memory_space<vmem>>, vector<16xf32>,
      %swap3A_387 = arith.constant 194 : i32
      %swap3A_388 = arith.index_cast %swap3A_387 : i32 to index
      %swap3A_389 = arith.constant 0 : index
      %swap3A_390 = tpu.vector_load %arg11[%swap3A_388, %swap3A_389] {strides = array<i32>} : memref<200x32xf32, #tpu.memory_space<vmem>>, vector<16xf32>,
      tpu.vector_store %arg11[%swap3A_388, %swap3A_389], %get3A_386 {strides = array<i32>} : memref<200x32xf32, #tpu.memory_space<vmem>>, vector<16xf32>,
      %slice3A_391 = vector.extract_strided_slice %shift_left3A_330 {offsets = [10], sizes = [1], strides = [1]} : vector<16xi32> to vector<1xi32>
      %squeeze3A_392 = vector.extract %slice3A_391[0] : i32 from vector<1xi32>
      %add3A_393 = arith.constant 16 : i32
      %add3A_394 = arith.addi %squeeze3A_392, %add3A_393 : i32
      %get3A_395 = arith.constant 194 : i32
      %get3A_396 = arith.index_cast %get3A_395 : i32 to index
      %get3A_397 = arith.index_cast %add3A_394 : i32 to index
      %get3A_398 = tpu.vector_load %arg9[%get3A_396, %get3A_397] {strides = array<i32>} : memref<200x128xf32, #tpu.memory_space<vmem>>, vector<16xf32>,
      %swap3A_399 = arith.constant 194 : i32
      %swap3A_400 = arith.index_cast %swap3A_399 : i32 to index
      %swap3A_401 = arith.constant 16 : index
      %swap3A_402 = tpu.vector_load %arg11[%swap3A_400, %swap3A_401] {strides = array<i32>} : memref<200x32xf32, #tpu.memory_space<vmem>>, vector<16xf32>,
      tpu.vector_store %arg11[%swap3A_400, %swap3A_401], %get3A_398 {strides = array<i32>} : memref<200x32xf32, #tpu.memory_space<vmem>>, vector<16xf32>,
      %slice3A_403 = vector.extract_strided_slice %shift_left3A_330 {offsets = [11], sizes = [1], strides = [1]} : vector<16xi32> to vector<1xi32>
      %squeeze3A_404 = vector.extract %slice3A_403[0] : i32 from vector<1xi32>
      %add3A_405 = arith.constant 0 : i32
      %add3A_406 = arith.addi %squeeze3A_404, %add3A_405 : i32
      %get3A_407 = arith.constant 195 : i32
      %get3A_408 = arith.index_cast %get3A_407 : i32 to index
      %get3A_409 = arith.index_cast %add3A_406 : i32 to index
      %get3A_410 = tpu.vector_load %arg9[%get3A_408, %get3A_409] {strides = array<i32>} : memref<200x128xf32, #tpu.memory_space<vmem>>, vector<16xf32>,
      %swap3A_411 = arith.constant 195 : i32
      %swap3A_412 = arith.index_cast %swap3A_411 : i32 to index
      %swap3A_413 = arith.constant 0 : index
      %swap3A_414 = tpu.vector_load %arg11[%swap3A_412, %swap3A_413] {strides = array<i32>} : memref<200x32xf32, #tpu.memory_space<vmem>>, vector<16xf32>,
      tpu.vector_store %arg11[%swap3A_412, %swap3A_413], %get3A_410 {strides = array<i32>} : memref<200x32xf32, #tpu.memory_space<vmem>>, vector<16xf32>,
      %slice3A_415 = vector.extract_strided_slice %shift_left3A_330 {offsets = [11], sizes = [1], strides = [1]} : vector<16xi32> to vector<1xi32>
      %squeeze3A_416 = vector.extract %slice3A_415[0] : i32 from vector<1xi32>
      %add3A_417 = arith.constant 16 : i32
      %add3A_418 = arith.addi %squeeze3A_416, %add3A_417 : i32
      %get3A_419 = arith.constant 195 : i32
      %get3A_420 = arith.index_cast %get3A_419 : i32 to index
      %get3A_421 = arith.index_cast %add3A_418 : i32 to index
      %get3A_422 = tpu.vector_load %arg9[%get3A_420, %get3A_421] {strides = array<i32>} : memref<200x128xf32, #tpu.memory_space<vmem>>, vector<16xf32>,
      %swap3A_423 = arith.constant 195 : i32
      %swap3A_424 = arith.index_cast %swap3A_423 : i32 to index
      %swap3A_425 = arith.constant 16 : index
      %swap3A_426 = tpu.vector_load %arg11[%swap3A_424, %swap3A_425] {strides = array<i32>} : memref<200x32xf32, #tpu.memory_space<vmem>>, vector<16xf32>,
      tpu.vector_store %arg11[%swap3A_424, %swap3A_425], %get3A_422 {strides = array<i32>} : memref<200x32xf32, #tpu.memory_space<vmem>>, vector<16xf32>,
      %slice3A_427 = vector.extract_strided_slice %shift_left3A_330 {offsets = [12], sizes = [1], strides = [1]} : vector<16xi32> to vector<1xi32>
      %squeeze3A_428 = vector.extract %slice3A_427[0] : i32 from vector<1xi32>
      %add3A_429 = arith.constant 0 : i32
      %add3A_430 = arith.addi %squeeze3A_428, %add3A_429 : i32
      %get3A_431 = arith.constant 196 : i32
      %get3A_432 = arith.index_cast %get3A_431 : i32 to index
      %get3A_433 = arith.index_cast %add3A_430 : i32 to index
      %get3A_434 = tpu.vector_load %arg9[%get3A_432, %get3A_433] {strides = array<i32>} : memref<200x128xf32, #tpu.memory_space<vmem>>, vector<16xf32>,
      %swap3A_435 = arith.constant 196 : i32
      %swap3A_436 = arith.index_cast %swap3A_435 : i32 to index
      %swap3A_437 = arith.constant 0 : index
      %swap3A_438 = tpu.vector_load %arg11[%swap3A_436, %swap3A_437] {strides = array<i32>} : memref<200x32xf32, #tpu.memory_space<vmem>>, vector<16xf32>,
      tpu.vector_store %arg11[%swap3A_436, %swap3A_437], %get3A_434 {strides = array<i32>} : memref<200x32xf32, #tpu.memory_space<vmem>>, vector<16xf32>,
      %slice3A_439 = vector.extract_strided_slice %shift_left3A_330 {offsets = [12], sizes = [1], strides = [1]} : vector<16xi32> to vector<1xi32>
      %squeeze3A_440 = vector.extract %slice3A_439[0] : i32 from vector<1xi32>
      %add3A_441 = arith.constant 16 : i32
      %add3A_442 = arith.addi %squeeze3A_440, %add3A_441 : i32
      %get3A_443 = arith.constant 196 : i32
      %get3A_444 = arith.index_cast %get3A_443 : i32 to index
      %get3A_445 = arith.index_cast %add3A_442 : i32 to index
      %get3A_446 = tpu.vector_load %arg9[%get3A_444, %get3A_445] {strides = array<i32>} : memref<200x128xf32, #tpu.memory_space<vmem>>, vector<16xf32>,
      %swap3A_447 = arith.constant 196 : i32
      %swap3A_448 = arith.index_cast %swap3A_447 : i32 to index
      %swap3A_449 = arith.constant 16 : index
      %swap3A_450 = tpu.vector_load %arg11[%swap3A_448, %swap3A_449] {strides = array<i32>} : memref<200x32xf32, #tpu.memory_space<vmem>>, vector<16xf32>,
      tpu.vector_store %arg11[%swap3A_448, %swap3A_449], %get3A_446 {strides = array<i32>} : memref<200x32xf32, #tpu.memory_space<vmem>>, vector<16xf32>,
      %slice3A_451 = vector.extract_strided_slice %shift_left3A_330 {offsets = [13], sizes = [1], strides = [1]} : vector<16xi32> to vector<1xi32>
      %squeeze3A_452 = vector.extract %slice3A_451[0] : i32 from vector<1xi32>
      %add3A_453 = arith.constant 0 : i32
      %add3A_454 = arith.addi %squeeze3A_452, %add3A_453 : i32
      %get3A_455 = arith.constant 197 : i32
      %get3A_456 = arith.index_cast %get3A_455 : i32 to index
      %get3A_457 = arith.index_cast %add3A_454 : i32 to index
      %get3A_458 = tpu.vector_load %arg9[%get3A_456, %get3A_457] {strides = array<i32>} : memref<200x128xf32, #tpu.memory_space<vmem>>, vector<16xf32>,
      %swap3A_459 = arith.constant 197 : i32
      %swap3A_460 = arith.index_cast %swap3A_459 : i32 to index
      %swap3A_461 = arith.constant 0 : index
      %swap3A_462 = tpu.vector_load %arg11[%swap3A_460, %swap3A_461] {strides = array<i32>} : memref<200x32xf32, #tpu.memory_space<vmem>>, vector<16xf32>,
      tpu.vector_store %arg11[%swap3A_460, %swap3A_461], %get3A_458 {strides = array<i32>} : memref<200x32xf32, #tpu.memory_space<vmem>>, vector<16xf32>,
      %slice3A_463 = vector.extract_strided_slice %shift_left3A_330 {offsets = [13], sizes = [1], strides = [1]} : vector<16xi32> to vector<1xi32>
      %squeeze3A_464 = vector.extract %slice3A_463[0] : i32 from vector<1xi32>
      %add3A_465 = arith.constant 16 : i32
      %add3A_466 = arith.addi %squeeze3A_464, %add3A_465 : i32
      %get3A_467 = arith.constant 197 : i32
      %get3A_468 = arith.index_cast %get3A_467 : i32 to index
      %get3A_469 = arith.index_cast %add3A_466 : i32 to index
      %get3A_470 = tpu.vector_load %arg9[%get3A_468, %get3A_469] {strides = array<i32>} : memref<200x128xf32, #tpu.memory_space<vmem>>, vector<16xf32>,
      %swap3A_471 = arith.constant 197 : i32
      %swap3A_472 = arith.index_cast %swap3A_471 : i32 to index
      %swap3A_473 = arith.constant 16 : index
      %swap3A_474 = tpu.vector_load %arg11[%swap3A_472, %swap3A_473] {strides = array<i32>} : memref<200x32xf32, #tpu.memory_space<vmem>>, vector<16xf32>,
      tpu.vector_store %arg11[%swap3A_472, %swap3A_473], %get3A_470 {strides = array<i32>} : memref<200x32xf32, #tpu.memory_space<vmem>>, vector<16xf32>,
      %slice3A_475 = vector.extract_strided_slice %shift_left3A_330 {offsets = [14], sizes = [1], strides = [1]} : vector<16xi32> to vector<1xi32>
      %squeeze3A_476 = vector.extract %slice3A_475[0] : i32 from vector<1xi32>
      %add3A_477 = arith.constant 0 : i32
      %add3A_478 = arith.addi %squeeze3A_476, %add3A_477 : i32
      %get3A_479 = arith.constant 198 : i32
      %get3A_480 = arith.index_cast %get3A_479 : i32 to index
      %get3A_481 = arith.index_cast %add3A_478 : i32 to index
      %get3A_482 = tpu.vector_load %arg9[%get3A_480, %get3A_481] {strides = array<i32>} : memref<200x128xf32, #tpu.memory_space<vmem>>, vector<16xf32>,
      %swap3A_483 = arith.constant 198 : i32
      %swap3A_484 = arith.index_cast %swap3A_483 : i32 to index
      %swap3A_485 = arith.constant 0 : index
      %swap3A_486 = tpu.vector_load %arg11[%swap3A_484, %swap3A_485] {strides = array<i32>} : memref<200x32xf32, #tpu.memory_space<vmem>>, vector<16xf32>,
      tpu.vector_store %arg11[%swap3A_484, %swap3A_485], %get3A_482 {strides = array<i32>} : memref<200x32xf32, #tpu.memory_space<vmem>>, vector<16xf32>,
      %slice3A_487 = vector.extract_strided_slice %shift_left3A_330 {offsets = [14], sizes = [1], strides = [1]} : vector<16xi32> to vector<1xi32>
      %squeeze3A_488 = vector.extract %slice3A_487[0] : i32 from vector<1xi32>
      %add3A_489 = arith.constant 16 : i32
      %add3A_490 = arith.addi %squeeze3A_488, %add3A_489 : i32
      %get3A_491 = arith.constant 198 : i32
      %get3A_492 = arith.index_cast %get3A_491 : i32 to index
      %get3A_493 = arith.index_cast %add3A_490 : i32 to index
      %get3A_494 = tpu.vector_load %arg9[%get3A_492, %get3A_493] {strides = array<i32>} : memref<200x128xf32, #tpu.memory_space<vmem>>, vector<16xf32>,
      %swap3A_495 = arith.constant 198 : i32
      %swap3A_496 = arith.index_cast %swap3A_495 : i32 to index
      %swap3A_497 = arith.constant 16 : index
      %swap3A_498 = tpu.vector_load %arg11[%swap3A_496, %swap3A_497] {strides = array<i32>} : memref<200x32xf32, #tpu.memory_space<vmem>>, vector<16xf32>,
      tpu.vector_store %arg11[%swap3A_496, %swap3A_497], %get3A_494 {strides = array<i32>} : memref<200x32xf32, #tpu.memory_space<vmem>>, vector<16xf32>,
      %slice3A_499 = vector.extract_strided_slice %shift_left3A_330 {offsets = [15], sizes = [1], strides = [1]} : vector<16xi32> to vector<1xi32>
      %squeeze3A_500 = vector.extract %slice3A_499[0] : i32 from vector<1xi32>
      %add3A_501 = arith.constant 0 : i32
      %add3A_502 = arith.addi %squeeze3A_500, %add3A_501 : i32
      %get3A_503 = arith.constant 199 : i32
      %get3A_504 = arith.index_cast %get3A_503 : i32 to index
      %get3A_505 = arith.index_cast %add3A_502 : i32 to index
      %get3A_506 = tpu.vector_load %arg9[%get3A_504, %get3A_505] {strides = array<i32>} : memref<200x128xf32, #tpu.memory_space<vmem>>, vector<16xf32>,
      %swap3A_507 = arith.constant 199 : i32
      %swap3A_508 = arith.index_cast %swap3A_507 : i32 to index
      %swap3A_509 = arith.constant 0 : index
      %swap3A_510 = tpu.vector_load %arg11[%swap3A_508, %swap3A_509] {strides = array<i32>} : memref<200x32xf32, #tpu.memory_space<vmem>>, vector<16xf32>,
      tpu.vector_store %arg11[%swap3A_508, %swap3A_509], %get3A_506 {strides = array<i32>} : memref<200x32xf32, #tpu.memory_space<vmem>>, vector<16xf32>,
      %slice3A_511 = vector.extract_strided_slice %shift_left3A_330 {offsets = [15], sizes = [1], strides = [1]} : vector<16xi32> to vector<1xi32>
      %squeeze3A_512 = vector.extract %slice3A_511[0] : i32 from vector<1xi32>
      %add3A_513 = arith.constant 16 : i32
      %add3A_514 = arith.addi %squeeze3A_512, %add3A_513 : i32
      %get3A_515 = arith.constant 199 : i32
      %get3A_516 = arith.index_cast %get3A_515 : i32 to index
      %get3A_517 = arith.index_cast %add3A_514 : i32 to index
      %get3A_518 = tpu.vector_load %arg9[%get3A_516, %get3A_517] {strides = array<i32>} : memref<200x128xf32, #tpu.memory_space<vmem>>, vector<16xf32>,
      %swap3A_519 = arith.constant 199 : i32
      %swap3A_520 = arith.index_cast %swap3A_519 : i32 to index
      %swap3A_521 = arith.constant 16 : index
      %swap3A_522 = tpu.vector_load %arg11[%swap3A_520, %swap3A_521] {strides = array<i32>} : memref<200x32xf32, #tpu.memory_space<vmem>>, vector<16xf32>,
      tpu.vector_store %arg11[%swap3A_520, %swap3A_521], %get3A_518 {strides = array<i32>} : memref<200x32xf32, #tpu.memory_space<vmem>>, vector<16xf32>,
      %lt3A_523 = arith.constant 63 : i32
      %lt3A_524 = arith.cmpi slt, %scan3A_72, %lt3A_523 : i32
      %convert_element_type3A_525 = arith.extui %lt3A_524 : i1 to i32
      %cond3A_526 = arith.constant 0 : i32
      %cond3A_527 = arith.cmpi ne, %convert_element_type3A_525, %cond3A_526 : i32
      scf.if %cond3A_527 {
        %add3A_542 = arith.constant 3 : i32
        %add3A_543 = arith.addi %mul3A_74, %add3A_542 : i32
        %scan3A_544 = arith.constant 0 : i32
        %scan3A_545 = arith.constant 0 : i32
        %scan3A_546 = arith.constant 12 : i32
        %scan3A_547 = arith.addi %scan3A_545, %scan3A_546 : i32
        %scan3A_548 = arith.constant 1 : i32
        scf.for %scan3A_564 = %scan3A_545 to %scan3A_547 step %scan3A_548  : i32 {
          %mul3A_565 = arith.constant 200 : i32
          %mul3A_566 = arith.muli %add3A_543, %mul3A_565 : i32
          %mul3A_567 = arith.constant 16 : i32
          %mul3A_568 = arith.muli %scan3A_564, %mul3A_567 : i32
          %add3A_569 = arith.addi %mul3A_566, %mul3A_568 : i32
          %get3A_570 = arith.index_cast %add3A_569 : i32 to index
          %get3A_571 = tpu.vector_load %arg5[%get3A_570] {strides = array<i32>} : memref<25600xi32, #tpu.memory_space<vmem>>, vector<16xi32>,
          %shift_right_logical3A_572 = arith.constant 2 : i32
          %shift_right_logical3A_573 = vector.broadcast %shift_right_logical3A_572 : i32 to vector<16xi32>
          %shift_right_logical3A_574 = arith.shrui %get3A_571, %shift_right_logical3A_573 : vector<16xi32>
          %mul3A_575 = arith.constant 16 : i32
          %mul3A_576 = arith.muli %scan3A_564, %mul3A_575 : i32
          %swap3A_577 = arith.index_cast %mul3A_576 : i32 to index
          %swap3A_578 = tpu.vector_load %arg7[%swap3A_577] {strides = array<i32>} : memref<200xi32, #tpu.memory_space<vmem>>, vector<16xi32>,
          tpu.vector_store %arg7[%swap3A_577], %shift_right_logical3A_574 {strides = array<i32>} : memref<200xi32, #tpu.memory_space<vmem>>, vector<16xi32>,
        }
        %scan3A_549 = arith.constant 12 : i32
        %mul3A_550 = arith.constant 200 : i32
        %mul3A_551 = arith.muli %add3A_543, %mul3A_550 : i32
        %add3A_552 = arith.constant 184 : i32
        %add3A_553 = arith.addi %mul3A_551, %add3A_552 : i32
        %get3A_554 = arith.index_cast %add3A_553 : i32 to index
        %get3A_555 = tpu.vector_load %arg5[%get3A_554] {strides = array<i32>} : memref<25600xi32, #tpu.memory_space<vmem>>, vector<16xi32>,
        %shift_right_logical3A_556 = arith.constant 2 : i32
        %shift_right_logical3A_557 = vector.broadcast %shift_right_logical3A_556 : i32 to vector<16xi32>
        %shift_right_logical3A_558 = arith.shrui %get3A_555, %shift_right_logical3A_557 : vector<16xi32>
        %swap3A_559 = arith.constant 184 : index
        %swap3A_560 = tpu.vector_load %arg7[%swap3A_559] {strides = array<i32>} : memref<200xi32, #tpu.memory_space<vmem>>, vector<16xi32>,
        tpu.vector_store %arg7[%swap3A_559], %shift_right_logical3A_558 {strides = array<i32>} : memref<200xi32, #tpu.memory_space<vmem>>, vector<16xi32>,
        %dma_start3A_561 = arith.constant 0 : i32
        %dma_start3A_562 = arith.constant 0 : i32
        %dma_start3A_563 = tpu.memref_slice %arg3[%dma_start3A_561, %dma_start3A_562] : memref<250000x128xf32, #tpu.memory_space<hbm>> -> memref<250000x128xf32, #tpu.memory_space<hbm>>
        tpu.enqueue_indirect_dma source(%dma_start3A_563 : memref<250000x128xf32, #tpu.memory_space<hbm>>) target(%arg9 : memref<200x128xf32, #tpu.memory_space<vmem>>) offsets(%arg7 : memref<200xi32, #tpu.memory_space<vmem>>) semaphore(%arg13 : memref<!tpu.dma_semaphore, #tpu.memory_space<semaphore_mem>>)
      } else {
      }
      %add3A_528 = arith.constant 1 : i32
      %add3A_529 = arith.addi %mul3A_74, %add3A_528 : i32
      %mul3A_530 = arith.constant 4 : i32
      %mul3A_531 = arith.muli %add3A_529, %mul3A_530 : i32
      %add3A_532 = arith.addi %select_n3A, %mul3A_531 : i32
      %multiple_of3A_533 = tpu.assume_multiple %add3A_532, 4 : i32
      %dma_start3A_534 = tpu.memref_reshape %arg11 : memref<200x32xf32, #tpu.memory_space<vmem>> -> memref<4x50x32xf32, #tpu.memory_space<vmem>>
      %dma_start3A_535 = arith.constant 0 : i32
      %dma_start3A_536 = arith.constant 0 : i32
      %dma_start3A_537 = tpu.memref_slice %arg4[%multiple_of3A_533, %dma_start3A_535, %dma_start3A_536] : memref<16384x50x32xf32, #tpu.memory_space<hbm>> -> memref<4x50x32xf32, #tpu.memory_space<hbm>>
      %dma_start3A_538 = arith.constant 0 : i32
      %dma_start3A_539 = arith.constant 0 : i32
      %dma_start3A_540 = tpu.memref_slice %arg4[%multiple_of3A_533, %dma_start3A_538, %dma_start3A_539] : memref<16384x50x32xf32, #tpu.memory_space<hbm>> -> memref<4x50x32xf32, #tpu.memory_space<hbm>>
      %dma_start3A_541 = tpu.memref_reshape %arg11 : memref<200x32xf32, #tpu.memory_space<vmem>> -> memref<4x50x32xf32, #tpu.memory_space<vmem>>
      tpu.enqueue_dma source(%dma_start3A_541 : memref<4x50x32xf32, #tpu.memory_space<vmem>>) target(%dma_start3A_540 : memref<4x50x32xf32, #tpu.memory_space<hbm>>) target_semaphore(%arg15 : memref<!tpu.dma_semaphore, #tpu.memory_space<semaphore_mem>>)
    }
    %scan3A_51 = arith.constant 64 : i32
    %add3A_52 = arith.constant 504 : i32
    %add3A_53 = arith.addi %select_n3A, %add3A_52 : i32
    %multiple_of3A = tpu.assume_multiple %add3A_53, 4 : i32
    %dma_wait3A = tpu.memref_reshape %arg10 : memref<200x32xf32, #tpu.memory_space<vmem>> -> memref<4x50x32xf32, #tpu.memory_space<vmem>>
    %dma_wait3A_54 = arith.constant 0 : i32
    %dma_wait3A_55 = arith.constant 0 : i32
    %dma_wait3A_56 = tpu.memref_slice %arg4[%multiple_of3A, %dma_wait3A_54, %dma_wait3A_55] : memref<16384x50x32xf32, #tpu.memory_space<hbm>> -> memref<4x50x32xf32, #tpu.memory_space<hbm>>
    %dma_wait3A_57 = arith.constant 0 : i32
    %dma_wait3A_58 = arith.constant 0 : i32
    %dma_wait3A_59 = tpu.memref_slice %arg4[%multiple_of3A, %dma_wait3A_57, %dma_wait3A_58] : memref<16384x50x32xf32, #tpu.memory_space<hbm>> -> memref<4x50x32xf32, #tpu.memory_space<hbm>>
    %dma_wait3A_60 = tpu.memref_reshape %arg10 : memref<200x32xf32, #tpu.memory_space<vmem>> -> memref<4x50x32xf32, #tpu.memory_space<vmem>>
    tpu.wait_dma2 semaphore(%arg14 : memref<!tpu.dma_semaphore, #tpu.memory_space<semaphore_mem>>) src(%dma_wait3A_60 : memref<4x50x32xf32, #tpu.memory_space<vmem>>) dst(%dma_wait3A_59 : memref<4x50x32xf32, #tpu.memory_space<hbm>>)
    %add3A_61 = arith.constant 508 : i32
    %add3A_62 = arith.addi %select_n3A, %add3A_61 : i32
    %multiple_of3A_63 = tpu.assume_multiple %add3A_62, 4 : i32
    %dma_wait3A_64 = tpu.memref_reshape %arg11 : memref<200x32xf32, #tpu.memory_space<vmem>> -> memref<4x50x32xf32, #tpu.memory_space<vmem>>
    %dma_wait3A_65 = arith.constant 0 : i32
    %dma_wait3A_66 = arith.constant 0 : i32
    %dma_wait3A_67 = tpu.memref_slice %arg4[%multiple_of3A_63, %dma_wait3A_65, %dma_wait3A_66] : memref<16384x50x32xf32, #tpu.memory_space<hbm>> -> memref<4x50x32xf32, #tpu.memory_space<hbm>>
    %dma_wait3A_68 = arith.constant 0 : i32
    %dma_wait3A_69 = arith.constant 0 : i32
    %dma_wait3A_70 = tpu.memref_slice %arg4[%multiple_of3A_63, %dma_wait3A_68, %dma_wait3A_69] : memref<16384x50x32xf32, #tpu.memory_space<hbm>> -> memref<4x50x32xf32, #tpu.memory_space<hbm>>
    %dma_wait3A_71 = tpu.memref_reshape %arg11 : memref<200x32xf32, #tpu.memory_space<vmem>> -> memref<4x50x32xf32, #tpu.memory_space<vmem>>
    tpu.wait_dma2 semaphore(%arg15 : memref<!tpu.dma_semaphore, #tpu.memory_space<semaphore_mem>>) src(%dma_wait3A_71 : memref<4x50x32xf32, #tpu.memory_space<vmem>>) dst(%dma_wait3A_70 : memref<4x50x32xf32, #tpu.memory_space<hbm>>)
    return
  }
}

</mosaic_0001>

<sc_bundles>
// kernel: kernel.3.cloned.1.call-start
scs
__scs_entry_jumppad:
0x0: {  	(pc) =	sbr.rel $0x88, $3  }
0x1: {  	(tag) =	ssettag $0x0;
	lr =	simm.s32 $0x1  }
0x2: {  	[smem:$0x3F9F] =	sst lr;
	_ =	strace $0xD0000000  }
0x3: {  	_ = 	snop  }
0x4: {  	_ = 	snop  }
0x5: {  	_ = 	snop  }
0x6: {  	_ = 	snop  }
0x7: {  	_ = 	snop  }
__scs_overlays_trampoline_lowered:
0x8: {  	[smem:$0x3FAE] =	sst s0  }
0x9: {  	[smem:$0x3FAF] =	sst s1  }
0xa: {  	[smem:$0x3FB0] =	sst s2  }
0xb: {  	[smem:$0x3FB1] =	sst s3  }
0xc: {  	[smem:$0x3FB2] =	sst s4  }
0xd: {  	[smem:$0x3FB3] =	sst s5  }
0xe: {  	[smem:$0x3FB4] =	sst s6  }
0xf: {  	[smem:$0x3FB5] =	sst s7  }
0x10: {  	[smem:$0x3FB6] =	sst s8  }
0x11: {  	[smem:$0x3FB7] =	sst s9;
	s0 =	simm.s32 @!p0 $0x0  }
0x12: {  	s1 =	sld [smem:$0x3F9D];
	s0 =	simm.s32 @p0 $0x1  }
0x13: {  	[smem:$0x3FB8] =	sst s0;
	s0 =	simm.s32 @!p1 $0x0  }
0x14: {  	s2 =	sld [smem:$0x3F9C];
	s0 =	simm.s32 @p1 $0x1  }
0x15: {  	[smem:$0x3FB9] =	sst s0;
	s0 =	simm.s32 @!p2 $0x0  }
0x16: {  	s3 =	sld [smem:$0x3FDB];
	s0 =	simm.s32 @p2 $0x1  }
0x17: {  	s4 =	simm.s32 $0x1BF5;
	[smem:$0x3FBB] =	sst s0  }
0x18: {  	s0 =	sld [smem:$0x3F9E];
	_ =	swait.ge [sflag:s4], $0x0  }
0x19: {  	s7 =	sld [smem:$0x3F9F]  }
0x1a: {  	s8 =	sadd.s32 $0xFFFFE003, lr  }
0x1b: {  	s9 =	sadd.s32 $0xFFFFFEF7, lr;
	s5 =	simm.s32 $0xFFFFFFFF;
	p2 =	slt.u32 s8, $0xFFFFF086  }
0x1c: {  	p1 =	slt.u32 s9, $0xF7A;
	s5 =	simm.s32 @!p2 $0x0  }
0x1d: {  	s5 =	simm.s32 @p1 $0x1;
	p0 =	seq.s32 s7, s2  }
0x1e: {  	s7 =	smul.u32 @!p0 $0xF7A, s2;
	p2 =	seq.s32 @!p0 s5, $0x0  }
0x1f: {  	s9 =	smul.u32 $0xF7A, s1;
	s8 =	simm.s32 @!p0 $0x1BF5;
	p2 =	por !p2, p0  }
0x20: {  	[sflag:s8] =	ssyncset.s32 @!p0 $0xFFFFF086;
	s6 =	sadd.s32 @!p0 s3, s7;
	s7 =	simm.s32 @!p0 $0x108  }
0x21: {  	s3 =	sadd.s32 s3, s9;
	s6 =	sadd.s32 @!p0 $0x88, s6;
	s7 =	simm.s32 @p2 $0x1082  }
0x22: {  	[simem:s7], [sflag:s8] =	dma.local @!p0 [hbm:s6], $0xF7A  }
0x23: {  	s9 =	sor.u32 $0xD0000000, s2;
	s6 =	simm.s32 $0x108;
	_ =	swait.ge @!p0 [sflag:s8], $0x0  }
0x24: {  	s3 =	sadd.s32 $0x88, s3;
	s6 =	simm.s32 @!p1 $0x1082;
	[sflag:s4] =	ssyncset.s32 $0xFFFFF086  }
0x25: {  	[simem:s6], [sflag:s4] =	dma.local [hbm:s3], $0xF7A  }
0x26: {  	[smem:$0x3F9F] =	sst s1;
	(tag) =	ssettag s2;
	_ =	strace s9  }
0x27: {  	s1 =	sld [smem:$0x3FAF]  }
0x28: {  	s2 =	sld [smem:$0x3FB0]  }
0x29: {  	s4 =	sld [smem:$0x3FB2]  }
0x2a: {  	p0 =	seq.s32 s5, $0x0;
	s5 =	sld [smem:$0x3FB3]  }
0x2b: {  	s6 =	sld [smem:$0x3FB4]  }
0x2c: {  	s7 =	sld [smem:$0x3FB5]  }
0x2d: {  	s3 =	simm.s32 $0x108;
	s8 =	sld [smem:$0x3FB6]  }
0x2e: {  	s3 =	simm.s32 @!p0 $0x1082;
	s9 =	sld [smem:$0x3FB7]  }
0x2f: {  	lr =	sadd.s32 s0, s3;
	s0 =	sld [smem:$0x3FAE]  }
0x30: {  	s3 =	sld [smem:$0x3FB1]  }
0x31: {  	[smem:$0x3FBA] =	sst s10  }
0x32: {  	s10 =	sld [smem:$0x3FB8];
	_ =	sdelay $0x3  }
0x33: {  	p0 =	seq.s32 s10, $0x1;
	s10 =	sld [smem:$0x3FBA];
	_ =	sdelay $0x3  }
0x34: {  	[smem:$0x3FBA] =	sst s10  }
0x35: {  	s10 =	sld [smem:$0x3FB9];
	_ =	sdelay $0x3  }
0x36: {  	p1 =	seq.s32 s10, $0x1;
	s10 =	sld [smem:$0x3FBA];
	_ =	sdelay $0x3  }
0x37: {  	[smem:$0x3FBA] =	sst s10  }
0x38: {  	s10 =	sld [smem:$0x3FBB]  }
0x39: {  	_ = 	snop;
	(pc) =	sbr.ind lr, $3  }
0x3a: {  	_ = 	snop  }
0x3b: {  	_ = 	snop  }
0x3c: {  	p2 =	seq.s32 s10, $0x1;
	s10 =	sld [smem:$0x3FBA]  }
0x3d: {  	_ =	shalt  }
0x3e: {  	_ =	shalt  }
0x3f: {  	_ =	shalt  }
0x40: {  	_ =	shalt  }
0x41: {  	_ =	shalt  }
0x42: {  	_ =	shalt  }
0x43: {  	_ =	shalt  }
0x44: {  	_ =	shalt  }
0x45: {  	_ =	shalt  }
0x46: {  	_ =	shalt  }
0x47: {  	_ =	shalt  }
0x48: {  	_ =	shalt  }
0x49: {  	_ =	shalt  }
0x4a: {  	_ =	shalt  }
0x4b: {  	_ =	shalt  }
0x4c: {  	_ =	shalt  }
0x4d: {  	_ =	shalt  }
0x4e: {  	_ =	shalt  }
0x4f: {  	_ =	shalt  }
0x50: {  	_ =	shalt  }
0x51: {  	_ =	shalt  }
0x52: {  	_ =	shalt  }
0x53: {  	_ =	shalt  }
0x54: {  	_ =	shalt  }
0x55: {  	_ =	shalt  }
0x56: {  	_ =	shalt  }
0x57: {  	_ =	shalt  }
0x58: {  	_ =	shalt  }
0x59: {  	_ =	shalt  }
0x5a: {  	_ =	shalt  }
0x5b: {  	_ =	shalt  }
0x5c: {  	_ =	shalt  }
0x5d: {  	_ =	shalt  }
0x5e: {  	_ =	shalt  }
0x5f: {  	_ =	shalt  }
0x60: {  	_ =	shalt  }
0x61: {  	_ =	shalt  }
0x62: {  	_ =	shalt  }
0x63: {  	_ =	shalt  }
0x64: {  	_ =	shalt  }
0x65: {  	_ =	shalt  }
0x66: {  	_ =	shalt  }
0x67: {  	_ =	shalt  }
0x68: {  	_ =	shalt  }
0x69: {  	_ =	shalt  }
0x6a: {  	_ =	shalt  }
0x6b: {  	_ =	shalt  }
0x6c: {  	_ =	shalt  }
0x6d: {  	_ =	shalt  }
0x6e: {  	_ =	shalt  }
0x6f: {  	_ =	shalt  }
0x70: {  	_ =	shalt  }
0x71: {  	_ =	shalt  }
0x72: {  	_ =	shalt  }
0x73: {  	_ =	shalt  }
0x74: {  	_ =	shalt  }
0x75: {  	_ =	shalt  }
0x76: {  	_ =	shalt  }
0x77: {  	_ =	shalt  }
0x78: {  	_ =	shalt  }
0x79: {  	_ =	shalt  }
0x7a: {  	_ =	shalt  }
0x7b: {  	_ =	shalt  }
0x7c: {  	_ =	shalt  }
0x7d: {  	_ =	shalt  }
0x7e: {  	_ =	shalt  }
0x7f: {  	_ =	shalt  }
0x80: {  	_ =	shalt  }
0x81: {  	_ =	shalt  }
0x82: {  	_ =	shalt  }
0x83: {  	_ =	shalt  }
0x84: {  	_ =	shalt  }
0x85: {  	_ =	shalt  }
0x86: {  	_ =	shalt  }
0x87: {  	_ =	shalt  }
.Lfunc_end0:
.L_simem_size_0:
called_computation_lowered:
.L_overlay_start_0:
0x88: {  	s2 =	sld [smem:$0x3FD9]  }
0x89: {  	s3 =	sld [smem:$0x3FFE];
	_ =	sdelay $0x1  }
0x8a: {  	s1 =	srdreg.scid  }
0x8b: {  	s0 =	sand.u32 $0x1, s1  }
0x8c: {  	s17 =	sshll.u32 s0, $0xA;
	s2 =	sadd.s32 s3, s2  }
0x8d: {  	s2 =	sadd.s32 s2, s17  }
0x8e: {  	[smem:$0x3FC6] =	sst s2  }
0x8f: {  	_ = 	snop  }
0x90: {  	s2 =	sld [smem:$0x3FD0];
	(tm) =	ssettm $0x1  }
0x91: {  	s18 =	sld [smem:$0x3FFB];
	_ =	sdelay $0x3  }
0x92: {  	_ =	strace s18  }
0x93: {  	s3 =	sld [smem:$0x3FFC];
	_ =	sdelay $0x3  }
0x94: {  	_ =	strace s3  }
0x95: {  	s3 =	sld [smem:$0x3FFD];
	_ =	sdelay $0x3  }
0x96: {  	_ =	strace s3  }
0x97: {  	_ =	strace $0x8FFFFFFF  }
0x98: {  	s19 =	sld [smem:$0x3FDB];
	_ =	sdelay $0x1  }
0x99: {  	s4 =	simm.s32 $_scs_section_size  }
0x9a: {  	s5 =	simm.s32 $_size__tile_overlayer_lowered;
	s6 =	simm.s32 $_tile_overlayer_lowered  }
0x9b: {  	s22 =	simm.s32 $0x1BFF;
	s21 =	sshll.u32 s6, $0x1;
	s3 =	sadd.s32 s4, s19  }
0x9c: {  	s7 =	simm.s32 $0x0;
	s20 =	sshll.u32 s5, $0x1;
	s5 =	sadd.s32 s21, s3  }
0x9d: {  	[timem:s7], [sflag:s22] =	dma.local [hbm:s5], s20  }
0x9e: {  	_ =	swait.ge [sflag:s22], s20  }
0x9f: {  	s4 =	ssub.s32 $0x0, s20;
	[sflag:s22] =	ssyncset.done $0x0  }
0xa0: {  	[sflag:s22] =	ssyncadd.s32 s4;
	_ =	sdelay $0x1  }
0xa1: {  	s23 =	simm.s32 $0x1B8B  }
0xa2: {  	_ =	swait.ge [sflag:s23], $0x1  }
0xa3: {  	[sflag:s23] =	ssyncset.done $0x0  }
0xa4: {  	s25 =	simm.s32 $0x1B8E;
	s24 =	sld [smem:$0x3FFE];
	[sflag:s23] =	ssyncadd.s32 $0xFFFFFFFF  }
0xa5: {  	s26 =	simm.s32 $execute0_lowered;
	[smem:$0x3FD2] =	sst s25  }
0xa6: {  	s5 =	sshll.u32 s26, $0x1;
	_ =	strace $0x80000046;
	[dreg:$0x1] =	wrdreg $0xFFFFFFFF  }
0xa7: {  	s28 =	simm.s32 $_size_execute0_lowered;
	s3 =	sadd.s32 s3, s5;
	[dreg:$0x0] =	wrdreg $0x0  }
0xa8: {  	s5 =	sshll.u32 s28, $0x1;
	[dreg:$0x2] =	wrdreg s3  }
0xa9: {  	[dreg:$0x3] =	wrdreg s5  }
0xaa: {  	[dreg:$0x4] =	wrdreg $0xC0  }
0xab: {  	_ =	task [dreg:s7], $0x5FFFF  }
0xac: {  	[dreg:$0x1] =	wrdreg $0xFFFFFFFF  }
0xad: {  	[dreg:$0x0] =	wrdreg $0x60  }
0xae: {  	[dreg:$0x2] =	wrdreg s2  }
0xaf: {  	[dreg:$0x3] =	wrdreg s24  }
0xb0: {  	[dreg:$0x4] =	wrdreg $0x9  }
0xb1: {  	_ =	task.clear_ibuf [dreg:s7], $0x5FFFF;
	_ =	strace $0x90000046  }
0xb2: {  	s29 =	simm.s32 $0x9;
	_ =	strace $0x80000048  }
0xb3: {  	_ =	swait.ge [sflag:s29], $0x1  }
0xb4: {  	[sflag:s29] =	ssyncadd.s32 $0xFFFFFFFF  }
0xb5: {  	_ =	strace $0x90000048  }
0xb6: {  	_ =	sfence  }
0xb7: {  	s30 =	sld [smem:$0x0];
	_ =	sdelay $0x2  }
0xb8: {  	s31 =	sshll.u32 s1, $0xD;
	s1 =	sshrl.u32 s1, $0x2  }
0xb9: {  	s3 =	sand.u32 $0x4000, s31;
	s1 =	sadd.s32 s1, s30  }
0xba: {  	s0 =	sor.u32 s3, s0;
	s1 =	sshll.u32 s1, $0x11  }
0xbb: {  	s0 =	sor.u32 s1, s0  }
0xbc: {  	s0 =	sadd.s32 $0x8F2B, s0  }
0xbd: {  	[sflag:s0] =	ssyncadd.remote.s32 $0x1  }
0xbe: {  	_ =	sfence.sel $0xFFFF  }
0xbf: {  	[dreg:$0x0] =	wrdreg $0xFFFFFFFF;
	(pc) =	sbr.abs _section_cstart, $3  }
0xc0: {  	[dreg:$0x1] =	wrdreg $0xFFFFFFFF  }
0xc1: {  	_ =	task.clear_ibuf [dreg:s7], $0x2FFFF;
	_ =	strace $0x9FFFFFFF  }
0xc2: {  	(tm) =	ssettm $0x7FFFFFFF  }
0xc3: {  	_ =	shalt  }
tec
execute0_lowered:
.L_overlay_start_1:
0x0: {  	(tag) =	ssettag $0x1  }
0x1: {  	s6 =	rddreg [dreg:$0x0]  }
0x2: {  	s4 =	rddreg [dreg:$0x1];
	s3 =	srdreg.scid  }
0x3: {  	s1 =	stileid.u32;
	s2 =	simm.s32 $0x0;
	s10 =	simm.s32 $0x6600  }
0x4: {  	s11 =	simm.s32 $0x6500;
	s12 =	simm.s32 $0xCA00;
	s13 =	simm.s32 $0x1  }
0x5: {  	s14 =	simm.s32 $0x1900;
	s15 =	simm.s32 $0x1C00;
	s16 =	simm.s32 $0x12E00  }
0x6: {  	s17 =	simm.s32 $0x2;
	s18 =	simm.s32 $0x19200;
	s19 =	simm.s32 $0x3  }
0x7: {  	s20 =	simm.s32 $0x4;
	s3 =	sand.u32 $0x1, s3;
	s5 =	sshll.u32 s1, $0x1  }
0x8: {  	s21 =	simm.s32 $0x0;
	[smem:$0x7FF] =	sst s2;
	s5 =	sor.u32 s3, s5  }
0x9: {  	_ =	strace $0x80000047;
	s7 =	ssub.s32 $0x2, s3;
	s3 =	sadd.s32 $0xF42A00, s4  }
0xa: {  	s4 =	sadd.s32 $0x600, s4;
	s8 =	smul.u32 $0xC80, s5;
	s9 =	sshrl.u32 s7, $0x1  }
0xb: {  	s5 =	sshll.u32 s5, $0x9;
	s7 =	ssub.s32 s7, s9;
	s9 =	simm.s32 $0x6400  }
0xc: {  	s6 =	sadd.s32 s6, s8;
	s7 =	smax.u32 s7, $0x1;
	s8 =	simm.s32 $0x5  }
.LBB2_1:
0xd: {  	[tilespmem:s2], [sflag:$0x5] =	stream.linear.gather [hbm4b:s6+s2], $0x6400, $0x38;
	[tilespmem:$0x1F600] =	vst v63  }
0xe: {  	_ =	swait.ge [sflag:s8], $0x6400  }
0xf: {  	[sflag:s8] =	ssyncset.done $0x0  }
0x10: {  	[sflag:s8] =	ssyncadd.s32 $0xFFFF9C00  }
0x11: {  	v0 =	vld [tilespmem:$0x0]  }
0x12: {  	v1 =	vld [tilespmem:$0x10]  }
0x13: {  	v2 =	vld [tilespmem:$0x20]  }
0x14: {  	v3 =	vld [tilespmem:$0x30]  }
0x15: {  	v4 =	vld [tilespmem:$0x40]  }
0x16: {  	v5 =	vld [tilespmem:$0x50];
	v0 =	vshrl.u32 v0, $0x2  }
0x17: {  	v21 =	vld [tilespmem:$0x60];
	v20 =	vshrl.u32 v1, $0x2;
	[tilespmem:$0x6400] =	vst v0  }
0x18: {  	v23 =	vld [tilespmem:$0x70];
	v22 =	vshrl.u32 v2, $0x2;
	[tilespmem:$0x6410] =	vst v20  }
0x19: {  	v25 =	vld [tilespmem:$0x80];
	v24 =	vshrl.u32 v3, $0x2;
	[tilespmem:$0x6420] =	vst v22  }
0x1a: {  	v27 =	vld [tilespmem:$0x90];
	v26 =	vshrl.u32 v4, $0x2;
	[tilespmem:$0x6430] =	vst v24  }
0x1b: {  	v29 =	vld [tilespmem:$0xA0];
	v28 =	vshrl.u32 v5, $0x2;
	[tilespmem:$0x6440] =	vst v26  }
0x1c: {  	v31 =	vld [tilespmem:$0xB0];
	v30 =	vshrl.u32 v21, $0x2;
	[tilespmem:$0x6450] =	vst v28  }
0x1d: {  	v33 =	vld [tilespmem:$0xB8];
	v32 =	vshrl.u32 v23, $0x2;
	[tilespmem:$0x6460] =	vst v30  }
0x1e: {  	v34 =	vshrl.u32 v25, $0x2;
	[tilespmem:$0x6470] =	vst v32  }
0x1f: {  	v35 =	vshrl.u32 v27, $0x2;
	[tilespmem:$0x6480] =	vst v34  }
0x20: {  	v36 =	vshrl.u32 v29, $0x2;
	[tilespmem:$0x6490] =	vst v35  }
0x21: {  	v37 =	vshrl.u32 v31, $0x2;
	[tilespmem:$0x64A0] =	vst v36  }
0x22: {  	v38 =	vshrl.u32 v33, $0x2;
	[tilespmem:$0x64B0] =	vst v37  }
0x23: {  	s22 =	simm.s32 $0xC8;
	[tilespmem:$0x64B8] =	vst v38  }
0x24: {  	[tilespmem:s10], [sflag:$0x1] =	stream.indirect.gather [hbm4b:s3+s22], $0x80, s9, s22, $0xb8;
	[tilespmem:$0x1F600] =	vst v63  }
0x25: {  	v39 =	vld [tilespmem:$0xC8]  }
0x26: {  	v40 =	vld [tilespmem:$0xD8]  }
0x27: {  	v41 =	vld [tilespmem:$0xE8]  }
0x28: {  	v42 =	vld [tilespmem:$0xF8]  }
0x29: {  	v43 =	vld [tilespmem:$0x108]  }
0x2a: {  	v44 =	vld [tilespmem:$0x118];
	v0 =	vshrl.u32 v39, $0x2  }
0x2b: {  	v46 =	vld [tilespmem:$0x128];
	v45 =	vshrl.u32 v40, $0x2;
	[tilespmem:$0x6500] =	vst v0  }
0x2c: {  	v48 =	vld [tilespmem:$0x138];
	v47 =	vshrl.u32 v41, $0x2;
	[tilespmem:$0x6510] =	vst v45  }
0x2d: {  	v50 =	vld [tilespmem:$0x148];
	v49 =	vshrl.u32 v42, $0x2;
	[tilespmem:$0x6520] =	vst v47  }
0x2e: {  	v52 =	vld [tilespmem:$0x158];
	v51 =	vshrl.u32 v43, $0x2;
	[tilespmem:$0x6530] =	vst v49  }
0x2f: {  	v54 =	vld [tilespmem:$0x168];
	v53 =	vshrl.u32 v44, $0x2;
	[tilespmem:$0x6540] =	vst v51  }
0x30: {  	v56 =	vld [tilespmem:$0x178];
	v55 =	vshrl.u32 v46, $0x2;
	[tilespmem:$0x6550] =	vst v53  }
0x31: {  	v58 =	vld [tilespmem:$0x180];
	v57 =	vshrl.u32 v48, $0x2;
	[tilespmem:$0x6560] =	vst v55  }
0x32: {  	v59 =	vshrl.u32 v50, $0x2;
	[tilespmem:$0x6570] =	vst v57  }
0x33: {  	v60 =	vshrl.u32 v52, $0x2;
	[tilespmem:$0x6580] =	vst v59  }
0x34: {  	v61 =	vshrl.u32 v54, $0x2;
	[tilespmem:$0x6590] =	vst v60  }
0x35: {  	v62 =	vshrl.u32 v56, $0x2;
	[tilespmem:$0x65A0] =	vst v61  }
0x36: {  	v63 =	vshrl.u32 v58, $0x2;
	[tilespmem:$0x65B0] =	vst v62  }
0x37: {  	s23 =	simm.s32 $0x0;
	s24 =	simm.s32 $0x0;
	[tilespmem:$0x65B8] =	vst v63  }
0x38: {  	[tilespmem:s12], [sflag:$0x2] =	stream.indirect.gather [hbm4b:s3+s22], $0x80, s11, s22, $0xb8;
	[tilespmem:$0x1F600] =	vst v63  }
.LBB2_2:
0x39: {  	_ =	swait.ge [sflag:s13], $0x6400  }
0x3a: {  	p0 =	seq.s32 s24, $0x0;
	[sflag:s13] =	ssyncset.done $0x0  }
0x3b: {  	s25 =	simm.s32 @!p0 $0x3;
	[sflag:s13] =	ssyncadd.s32 $0xFFFF9C00  }
0x3c: {  	_ =	swait.ge @!p0 [sflag:s25], $0x6400  }
0x3d: {  	[sflag:s25] =	ssyncset.done @!p0 $0x0  }
0x3e: {  	[sflag:s25] =	ssyncadd.s32 @!p0 $0xFFFF9C00  }
0x3f: {  	v0 =	vld [tilespmem:s23+$0x0];
	_ =	sdelay $0x4  }
0x40: {  	v0 =	vshll.u32 v0, $0x5  }
0x41: {  	s28 =	simm.s32 $0x0;
	v0 =	vand.u32 $0x60, v0  }
0x42: {  	v0 =	vadd.s32 s28, v0  }
0x43: {  	(v2sf) =	vpush v0, $0x0;
	_ =	sdelay $0xb  }
0x44: {  	(v2sf) =	vpush v0, $0x1;
	_ =	sdelay $0x2  }
0x45: {  	s31 =	spop (v2sf)  }
0x46: {  	v1 =	vld [tilespmem:s31+$0x6600];
	_ =	sdelay $0x4  }
0x47: {  	[tilespmem:s28+$0x12E00] =	vst v1  }
0x48: {  	v1 =	vld [tilespmem:s31+$0x6610];
	_ =	sdelay $0x1  }
0x49: {  	(v2sf) =	vpush v0, $0x2;
	_ =	sdelay $0x2  }
0x4a: {  	s0 =	spop (v2sf);
	[tilespmem:s28+$0x12E10] =	vst v1  }
0x4b: {  	v1 =	vld [tilespmem:s0+$0x6680];
	_ =	sdelay $0x4  }
0x4c: {  	[tilespmem:s28+$0x12E80] =	vst v1  }
0x4d: {  	v1 =	vld [tilespmem:s0+$0x6690];
	_ =	sdelay $0x1  }
0x4e: {  	(v2sf) =	vpush v0, $0x3;
	_ =	sdelay $0x2  }
0x4f: {  	s26 =	spop (v2sf);
	[tilespmem:s28+$0x12E90] =	vst v1  }
0x50: {  	v1 =	vld [tilespmem:s26+$0x6700];
	_ =	sdelay $0x4  }
0x51: {  	[tilespmem:s28+$0x12F00] =	vst v1  }
0x52: {  	v1 =	vld [tilespmem:s26+$0x6710];
	_ =	sdelay $0x1  }
0x53: {  	(v2sf) =	vpush v0, $0x4;
	_ =	sdelay $0x2  }
0x54: {  	s31 =	spop (v2sf);
	[tilespmem:s28+$0x12F10] =	vst v1  }
0x55: {  	v1 =	vld [tilespmem:s31+$0x6780];
	_ =	sdelay $0x4  }
0x56: {  	[tilespmem:s28+$0x12F80] =	vst v1  }
0x57: {  	v1 =	vld [tilespmem:s31+$0x6790];
	_ =	sdelay $0x1  }
0x58: {  	(v2sf) =	vpush v0, $0x5;
	_ =	sdelay $0x2  }
0x59: {  	s0 =	spop (v2sf);
	[tilespmem:s28+$0x12F90] =	vst v1  }
0x5a: {  	v1 =	vld [tilespmem:s0+$0x6800];
	_ =	sdelay $0x4  }
0x5b: {  	[tilespmem:s28+$0x13000] =	vst v1  }
0x5c: {  	v1 =	vld [tilespmem:s0+$0x6810];
	_ =	sdelay $0x1  }
0x5d: {  	(v2sf) =	vpush v0, $0x6;
	_ =	sdelay $0x2  }
0x5e: {  	s26 =	spop (v2sf);
	[tilespmem:s28+$0x13010] =	vst v1  }
0x5f: {  	v1 =	vld [tilespmem:s26+$0x6880];
	_ =	sdelay $0x4  }
0x60: {  	[tilespmem:s28+$0x13080] =	vst v1  }
0x61: {  	v1 =	vld [tilespmem:s26+$0x6890];
	_ =	sdelay $0x1  }
0x62: {  	(v2sf) =	vpush v0, $0x7;
	_ =	sdelay $0x2  }
0x63: {  	s31 =	spop (v2sf);
	[tilespmem:s28+$0x13090] =	vst v1  }
0x64: {  	v1 =	vld [tilespmem:s31+$0x6900];
	_ =	sdelay $0x4  }
0x65: {  	[tilespmem:s28+$0x13100] =	vst v1  }
0x66: {  	v1 =	vld [tilespmem:s31+$0x6910];
	_ =	sdelay $0x1  }
0x67: {  	(v2sf) =	vpush v0, $0x8;
	_ =	sdelay $0x2  }
0x68: {  	s0 =	spop (v2sf);
	[tilespmem:s28+$0x13110] =	vst v1  }
0x69: {  	v1 =	vld [tilespmem:s0+$0x6980];
	_ =	sdelay $0x4  }
0x6a: {  	[tilespmem:s28+$0x13180] =	vst v1  }
0x6b: {  	v1 =	vld [tilespmem:s0+$0x6990];
	_ =	sdelay $0x1  }
0x6c: {  	(v2sf) =	vpush v0, $0x9;
	_ =	sdelay $0x2  }
0x6d: {  	s26 =	spop (v2sf);
	[tilespmem:s28+$0x13190] =	vst v1  }
0x6e: {  	v1 =	vld [tilespmem:s26+$0x6A00];
	_ =	sdelay $0x4  }
0x6f: {  	[tilespmem:s28+$0x13200] =	vst v1  }
0x70: {  	v1 =	vld [tilespmem:s26+$0x6A10];
	_ =	sdelay $0x1  }
0x71: {  	(v2sf) =	vpush v0, $0xA;
	_ =	sdelay $0x2  }
0x72: {  	s31 =	spop (v2sf);
	[tilespmem:s28+$0x13210] =	vst v1  }
0x73: {  	v1 =	vld [tilespmem:s31+$0x6A80];
	_ =	sdelay $0x4  }
0x74: {  	[tilespmem:s28+$0x13280] =	vst v1  }
0x75: {  	v1 =	vld [tilespmem:s31+$0x6A90];
	_ =	sdelay $0x1  }
0x76: {  	(v2sf) =	vpush v0, $0xB;
	_ =	sdelay $0x2  }
0x77: {  	s0 =	spop (v2sf);
	[tilespmem:s28+$0x13290] =	vst v1  }
0x78: {  	v1 =	vld [tilespmem:s0+$0x6B00];
	_ =	sdelay $0x4  }
0x79: {  	[tilespmem:s28+$0x13300] =	vst v1  }
0x7a: {  	v1 =	vld [tilespmem:s0+$0x6B10];
	_ =	sdelay $0x1  }
0x7b: {  	(v2sf) =	vpush v0, $0xC;
	_ =	sdelay $0x2  }
0x7c: {  	s26 =	spop (v2sf);
	[tilespmem:s28+$0x13310] =	vst v1  }
0x7d: {  	v1 =	vld [tilespmem:s26+$0x6B80];
	_ =	sdelay $0x4  }
0x7e: {  	[tilespmem:s28+$0x13380] =	vst v1  }
0x7f: {  	v1 =	vld [tilespmem:s26+$0x6B90];
	_ =	sdelay $0x1  }
0x80: {  	(v2sf) =	vpush v0, $0xD;
	_ =	sdelay $0x2  }
0x81: {  	s31 =	spop (v2sf);
	[tilespmem:s28+$0x13390] =	vst v1  }
0x82: {  	v1 =	vld [tilespmem:s31+$0x6C00];
	_ =	sdelay $0x4  }
0x83: {  	[tilespmem:s28+$0x13400] =	vst v1  }
0x84: {  	v1 =	vld [tilespmem:s31+$0x6C10];
	_ =	sdelay $0x1  }
0x85: {  	(v2sf) =	vpush v0, $0xE;
	_ =	sdelay $0x2  }
0x86: {  	s0 =	spop (v2sf);
	[tilespmem:s28+$0x13410] =	vst v1  }
0x87: {  	v1 =	vld [tilespmem:s0+$0x6C80];
	_ =	sdelay $0x4  }
0x88: {  	[tilespmem:s28+$0x13480] =	vst v1  }
0x89: {  	v1 =	vld [tilespmem:s0+$0x6C90];
	_ =	sdelay $0x1  }
0x8a: {  	(v2sf) =	vpush v0, $0xF;
	_ =	sdelay $0x2  }
0x8b: {  	s26 =	spop (v2sf);
	[tilespmem:s28+$0x13490] =	vst v1  }
0x8c: {  	v0 =	vld [tilespmem:s26+$0x6D00];
	_ =	sdelay $0x4  }
0x8d: {  	[tilespmem:s28+$0x13500] =	vst v0  }
0x8e: {  	v0 =	vld [tilespmem:s26+$0x6D10];
	_ =	sdelay $0x4  }
0x8f: {  	s30 =	spop (v2sf);
	[tilespmem:s28+$0x13510] =	vst v0  }
0x90: {  	v0 =	vld [tilespmem:s30+$0x6D80];
	_ =	sdelay $0x3  }
0x91: {  	s31 =	smul.u32 $0x640, s24  }
0x92: {  	s29 =	simm.s32 $0x2000;
	[tilespmem:s28+$0x13580] =	vst v0  }
0x93: {  	s25 =	sshra.s32 s31, $0x2;
	s26 =	sshll.u32 s24, $0x1;
	v0 =	vld [tilespmem:s30+$0x6D90];
	s30 =	smov.u32 s23  }
.LBB2_3:
0x94: {  	_ =	sdelay $0x2  }
0x95: {  	p0 =	sne.s32 s29, $0x16000  }
0x96: {  	s30 =	sadd.s32 $0x10, s30;
	[tilespmem:s28+$0x13590] =	vst v0;
	s28 =	smov.u32 s29;
	s29 =	sadd.s32 $0x2000, s29  }
0x97: {  	v0 =	vld [tilespmem:s30+$0x0];
	_ =	sdelay $0x4  }
0x98: {  	v0 =	vshll.u32 v0, $0x5  }
0x99: {  	s28 =	sshra.s32 s28, $0x2;
	v0 =	vand.u32 $0x60, v0  }
0x9a: {  	v0 =	vadd.s32 s28, v0  }
0x9b: {  	(v2sf) =	vpush v0, $0x0;
	_ =	sdelay $0xb  }
0x9c: {  	(v2sf) =	vpush v0, $0x1;
	_ =	sdelay $0x2  }
0x9d: {  	s31 =	spop (v2sf)  }
0x9e: {  	v1 =	vld [tilespmem:s31+$0x6600];
	_ =	sdelay $0x4  }
0x9f: {  	[tilespmem:s28+$0x12E00] =	vst v1  }
0xa0: {  	v1 =	vld [tilespmem:s31+$0x6610];
	_ =	sdelay $0x1  }
0xa1: {  	(v2sf) =	vpush v0, $0x2;
	_ =	sdelay $0x2  }
0xa2: {  	[tilespmem:s28+$0x12E10] =	vst v1;
	s31 =	spop (v2sf)  }
0xa3: {  	v1 =	vld [tilespmem:s31+$0x6680];
	_ =	sdelay $0x4  }
0xa4: {  	[tilespmem:s28+$0x12E80] =	vst v1  }
0xa5: {  	v1 =	vld [tilespmem:s31+$0x6690];
	_ =	sdelay $0x1  }
0xa6: {  	(v2sf) =	vpush v0, $0x3;
	_ =	sdelay $0x2  }
0xa7: {  	[tilespmem:s28+$0x12E90] =	vst v1;
	s31 =	spop (v2sf)  }
0xa8: {  	v1 =	vld [tilespmem:s31+$0x6700];
	_ =	sdelay $0x4  }
0xa9: {  	[tilespmem:s28+$0x12F00] =	vst v1  }
0xaa: {  	v1 =	vld [tilespmem:s31+$0x6710];
	_ =	sdelay $0x1  }
0xab: {  	(v2sf) =	vpush v0, $0x4;
	_ =	sdelay $0x2  }
0xac: {  	[tilespmem:s28+$0x12F10] =	vst v1;
	s31 =	spop (v2sf)  }
0xad: {  	v1 =	vld [tilespmem:s31+$0x6780];
	_ =	sdelay $0x4  }
0xae: {  	[tilespmem:s28+$0x12F80] =	vst v1  }
0xaf: {  	v1 =	vld [tilespmem:s31+$0x6790];
	_ =	sdelay $0x1  }
0xb0: {  	(v2sf) =	vpush v0, $0x5;
	_ =	sdelay $0x2  }
0xb1: {  	[tilespmem:s28+$0x12F90] =	vst v1;
	s31 =	spop (v2sf)  }
0xb2: {  	v1 =	vld [tilespmem:s31+$0x6800];
	_ =	sdelay $0x4  }
0xb3: {  	[tilespmem:s28+$0x13000] =	vst v1  }
0xb4: {  	v1 =	vld [tilespmem:s31+$0x6810];
	_ =	sdelay $0x1  }
0xb5: {  	(v2sf) =	vpush v0, $0x6;
	_ =	sdelay $0x2  }
0xb6: {  	[tilespmem:s28+$0x13010] =	vst v1;
	s31 =	spop (v2sf)  }
0xb7: {  	v1 =	vld [tilespmem:s31+$0x6880];
	_ =	sdelay $0x4  }
0xb8: {  	[tilespmem:s28+$0x13080] =	vst v1  }
0xb9: {  	v1 =	vld [tilespmem:s31+$0x6890];
	_ =	sdelay $0x1  }
0xba: {  	(v2sf) =	vpush v0, $0x7;
	_ =	sdelay $0x2  }
0xbb: {  	[tilespmem:s28+$0x13090] =	vst v1;
	s31 =	spop (v2sf)  }
0xbc: {  	v1 =	vld [tilespmem:s31+$0x6900];
	_ =	sdelay $0x4  }
0xbd: {  	[tilespmem:s28+$0x13100] =	vst v1  }
0xbe: {  	v1 =	vld [tilespmem:s31+$0x6910];
	_ =	sdelay $0x1  }
0xbf: {  	(v2sf) =	vpush v0, $0x8;
	_ =	sdelay $0x2  }
0xc0: {  	[tilespmem:s28+$0x13110] =	vst v1;
	s31 =	spop (v2sf)  }
0xc1: {  	v1 =	vld [tilespmem:s31+$0x6980];
	_ =	sdelay $0x4  }
0xc2: {  	[tilespmem:s28+$0x13180] =	vst v1  }
0xc3: {  	v1 =	vld [tilespmem:s31+$0x6990];
	_ =	sdelay $0x1  }
0xc4: {  	(v2sf) =	vpush v0, $0x9;
	_ =	sdelay $0x2  }
0xc5: {  	[tilespmem:s28+$0x13190] =	vst v1;
	s31 =	spop (v2sf)  }
0xc6: {  	v1 =	vld [tilespmem:s31+$0x6A00];
	_ =	sdelay $0x4  }
0xc7: {  	[tilespmem:s28+$0x13200] =	vst v1  }
0xc8: {  	v1 =	vld [tilespmem:s31+$0x6A10];
	_ =	sdelay $0x1  }
0xc9: {  	(v2sf) =	vpush v0, $0xA;
	_ =	sdelay $0x2  }
0xca: {  	[tilespmem:s28+$0x13210] =	vst v1;
	s31 =	spop (v2sf)  }
0xcb: {  	v1 =	vld [tilespmem:s31+$0x6A80];
	_ =	sdelay $0x4  }
0xcc: {  	[tilespmem:s28+$0x13280] =	vst v1  }
0xcd: {  	v1 =	vld [tilespmem:s31+$0x6A90];
	_ =	sdelay $0x1  }
0xce: {  	(v2sf) =	vpush v0, $0xB;
	_ =	sdelay $0x2  }
0xcf: {  	[tilespmem:s28+$0x13290] =	vst v1;
	s31 =	spop (v2sf)  }
0xd0: {  	v1 =	vld [tilespmem:s31+$0x6B00];
	_ =	sdelay $0x4  }
0xd1: {  	[tilespmem:s28+$0x13300] =	vst v1  }
0xd2: {  	v1 =	vld [tilespmem:s31+$0x6B10];
	_ =	sdelay $0x1  }
0xd3: {  	(v2sf) =	vpush v0, $0xC;
	_ =	sdelay $0x2  }
0xd4: {  	[tilespmem:s28+$0x13310] =	vst v1;
	s31 =	spop (v2sf)  }
0xd5: {  	v1 =	vld [tilespmem:s31+$0x6B80];
	_ =	sdelay $0x4  }
0xd6: {  	[tilespmem:s28+$0x13380] =	vst v1  }
0xd7: {  	v1 =	vld [tilespmem:s31+$0x6B90];
	_ =	sdelay $0x1  }
0xd8: {  	(v2sf) =	vpush v0, $0xD;
	_ =	sdelay $0x2  }
0xd9: {  	[tilespmem:s28+$0x13390] =	vst v1;
	s31 =	spop (v2sf)  }
0xda: {  	v1 =	vld [tilespmem:s31+$0x6C00];
	_ =	sdelay $0x4  }
0xdb: {  	[tilespmem:s28+$0x13400] =	vst v1  }
0xdc: {  	v1 =	vld [tilespmem:s31+$0x6C10];
	_ =	sdelay $0x1  }
0xdd: {  	(v2sf) =	vpush v0, $0xE;
	_ =	sdelay $0x2  }
0xde: {  	[tilespmem:s28+$0x13410] =	vst v1;
	s31 =	spop (v2sf)  }
0xdf: {  	v1 =	vld [tilespmem:s31+$0x6C80];
	_ =	sdelay $0x4  }
0xe0: {  	[tilespmem:s28+$0x13480] =	vst v1  }
0xe1: {  	v1 =	vld [tilespmem:s31+$0x6C90];
	_ =	sdelay $0x1  }
0xe2: {  	(v2sf) =	vpush v0, $0xF;
	_ =	sdelay $0x2  }
0xe3: {  	[tilespmem:s28+$0x13490] =	vst v1;
	s31 =	spop (v2sf)  }
0xe4: {  	v0 =	vld [tilespmem:s31+$0x6D00];
	_ =	sdelay $0x4  }
0xe5: {  	[tilespmem:s28+$0x13500] =	vst v0  }
0xe6: {  	v0 =	vld [tilespmem:s31+$0x6D10];
	_ =	sdelay $0x4  }
0xe7: {  	[tilespmem:s28+$0x13510] =	vst v0;
	s31 =	spop (v2sf)  }
0xe8: {  	v0 =	vld [tilespmem:s31+$0x6D80];
	_ =	sdelay $0x1  }
.Ltmp0:
0xe9: {  	(pc) =	sbr.rel @p0 .LBB2_3-.Ltmp0, $3  }
0xea: {  	_ =	sdelay $0x1  }
0xeb: {  	[tilespmem:s28+$0x13580] =	vst v0  }
0xec: {  	v0 =	vld [tilespmem:s31+$0x6D90]  }
0xed: {  	_ =	sdelay $0x3  }
0xee: {  	[tilespmem:s28+$0x13590] =	vst v0  }
0xef: {  	v0 =	vld [tilespmem:s25+$0xB8];
	_ =	sdelay $0x4  }
0xf0: {  	v0 =	vshll.u32 v0, $0x5  }
0xf1: {  	v0 =	vand.u32 $0x60, v0  }
0xf2: {  	(v2sf) =	vpush v0, $0x8;
	_ =	sdelay $0xb  }
0xf3: {  	(v2sf) =	vpush v0, $0x9;
	_ =	sdelay $0x2  }
0xf4: {  	s28 =	spop (v2sf)  }
0xf5: {  	v1 =	vld [tilespmem:s28+$0xC600];
	_ =	sdelay $0x4  }
0xf6: {  	[tilespmem:$0x18E00] =	vst v1  }
0xf7: {  	v1 =	vld [tilespmem:s28+$0xC610];
	_ =	sdelay $0x1  }
0xf8: {  	(v2sf) =	vpush v0, $0xA;
	_ =	sdelay $0x2  }
0xf9: {  	s28 =	spop (v2sf);
	[tilespmem:$0x18E10] =	vst v1  }
0xfa: {  	v1 =	vld [tilespmem:s28+$0xC680];
	_ =	sdelay $0x4  }
0xfb: {  	[tilespmem:$0x18E80] =	vst v1  }
0xfc: {  	v1 =	vld [tilespmem:s28+$0xC690];
	_ =	sdelay $0x1  }
0xfd: {  	(v2sf) =	vpush v0, $0xB;
	_ =	sdelay $0x2  }
0xfe: {  	s28 =	spop (v2sf);
	[tilespmem:$0x18E90] =	vst v1  }
0xff: {  	v1 =	vld [tilespmem:s28+$0xC700];
	_ =	sdelay $0x4  }
0x100: {  	[tilespmem:$0x18F00] =	vst v1  }
0x101: {  	v1 =	vld [tilespmem:s28+$0xC710];
	_ =	sdelay $0x1  }
0x102: {  	(v2sf) =	vpush v0, $0xC;
	_ =	sdelay $0x2  }
0x103: {  	s28 =	spop (v2sf);
	[tilespmem:$0x18F10] =	vst v1  }
0x104: {  	v1 =	vld [tilespmem:s28+$0xC780];
	_ =	sdelay $0x4  }
0x105: {  	[tilespmem:$0x18F80] =	vst v1  }
0x106: {  	v1 =	vld [tilespmem:s28+$0xC790];
	_ =	sdelay $0x1  }
0x107: {  	(v2sf) =	vpush v0, $0xD;
	_ =	sdelay $0x2  }
0x108: {  	s28 =	spop (v2sf);
	[tilespmem:$0x18F90] =	vst v1  }
0x109: {  	v1 =	vld [tilespmem:s28+$0xC800];
	_ =	sdelay $0x4  }
0x10a: {  	[tilespmem:$0x19000] =	vst v1  }
0x10b: {  	v1 =	vld [tilespmem:s28+$0xC810];
	_ =	sdelay $0x1  }
0x10c: {  	(v2sf) =	vpush v0, $0xE;
	_ =	sdelay $0x2  }
0x10d: {  	s28 =	spop (v2sf);
	[tilespmem:$0x19010] =	vst v1  }
0x10e: {  	v1 =	vld [tilespmem:s28+$0xC880];
	_ =	sdelay $0x4  }
0x10f: {  	[tilespmem:$0x19080] =	vst v1  }
0x110: {  	v1 =	vld [tilespmem:s28+$0xC890];
	_ =	sdelay $0x1  }
0x111: {  	(v2sf) =	vpush v0, $0xF;
	_ =	sdelay $0x2  }
0x112: {  	s28 =	spop (v2sf);
	[tilespmem:$0x19090] =	vst v1  }
0x113: {  	v0 =	vld [tilespmem:s28+$0xC900];
	_ =	sdelay $0x4  }
0x114: {  	[tilespmem:$0x19100] =	vst v0  }
0x115: {  	v0 =	vld [tilespmem:s28+$0xC910];
	_ =	sdelay $0x4  }
0x116: {  	s28 =	spop (v2sf);
	[tilespmem:$0x19110] =	vst v0  }
0x117: {  	v0 =	vld [tilespmem:s28+$0xC980];
	_ =	sdelay $0x4  }
0x118: {  	[tilespmem:$0x19180] =	vst v0  }
0x119: {  	v0 =	vld [tilespmem:s28+$0xC990]  }
0x11a: {  	s28 =	sshll.u32 s24, $0x3  }
0x11b: {  	s28 =	sadd.s32 s5, s28  }
0x11c: {  	s28 =	smul.u32 $0x380, s28;
	_ =	sdelay $0x1  }
0x11d: {  	s28 =	sadd.s32 s4, s28;
	[tilespmem:$0x19190] =	vst v0  }
0x11e: {  	[hbm4b:s28+s14] =	stream.strided.scatter [tilespmem:s16], [sflag:$0x3], $0x6400, s15, s14, $0x38;
	[tilespmem:$0x1F600] =	vst v63  }
0x11f: {  	_ =	swait.ge [sflag:s17], $0x6400  }
0x120: {  	[sflag:s17] =	ssyncset.done $0x0  }
0x121: {  	p0 =	seq.s32 s24, $0x3F;
	[sflag:s17] =	ssyncadd.s32 $0xFFFF9C00  }
0x122: {  	v0 =	vld @!p0 [tilespmem:s25+$0x190];
	_ =	sdelay $0x4  }
0x123: {  	v0 =	vshrl.u32 @!p0 v0, $0x2  }
0x124: {  	[tilespmem:$0x6400] =	vst @!p0 v0  }
0x125: {  	v0 =	vld @!p0 [tilespmem:s25+$0x1A0];
	_ =	sdelay $0x4  }
0x126: {  	v0 =	vshrl.u32 @!p0 v0, $0x2  }
0x127: {  	[tilespmem:$0x6410] =	vst @!p0 v0  }
0x128: {  	v0 =	vld @!p0 [tilespmem:s25+$0x1B0];
	_ =	sdelay $0x4  }
0x129: {  	v0 =	vshrl.u32 @!p0 v0, $0x2  }
0x12a: {  	[tilespmem:$0x6420] =	vst @!p0 v0  }
0x12b: {  	v0 =	vld @!p0 [tilespmem:s25+$0x1C0];
	_ =	sdelay $0x4  }
0x12c: {  	v0 =	vshrl.u32 @!p0 v0, $0x2  }
0x12d: {  	[tilespmem:$0x6430] =	vst @!p0 v0  }
0x12e: {  	v0 =	vld @!p0 [tilespmem:s25+$0x1D0];
	_ =	sdelay $0x4  }
0x12f: {  	v0 =	vshrl.u32 @!p0 v0, $0x2  }
0x130: {  	[tilespmem:$0x6440] =	vst @!p0 v0  }
0x131: {  	v0 =	vld @!p0 [tilespmem:s25+$0x1E0];
	_ =	sdelay $0x4  }
0x132: {  	v0 =	vshrl.u32 @!p0 v0, $0x2  }
0x133: {  	[tilespmem:$0x6450] =	vst @!p0 v0  }
0x134: {  	v0 =	vld @!p0 [tilespmem:s25+$0x1F0];
	_ =	sdelay $0x4  }
0x135: {  	v0 =	vshrl.u32 @!p0 v0, $0x2  }
0x136: {  	[tilespmem:$0x6460] =	vst @!p0 v0  }
0x137: {  	v0 =	vld @!p0 [tilespmem:s25+$0x200];
	_ =	sdelay $0x4  }
0x138: {  	v0 =	vshrl.u32 @!p0 v0, $0x2  }
0x139: {  	[tilespmem:$0x6470] =	vst @!p0 v0  }
0x13a: {  	v0 =	vld @!p0 [tilespmem:s25+$0x210];
	_ =	sdelay $0x4  }
0x13b: {  	v0 =	vshrl.u32 @!p0 v0, $0x2  }
0x13c: {  	[tilespmem:$0x6480] =	vst @!p0 v0  }
0x13d: {  	v0 =	vld @!p0 [tilespmem:s25+$0x220];
	_ =	sdelay $0x4  }
0x13e: {  	v0 =	vshrl.u32 @!p0 v0, $0x2  }
0x13f: {  	[tilespmem:$0x6490] =	vst @!p0 v0  }
0x140: {  	v0 =	vld @!p0 [tilespmem:s25+$0x230];
	_ =	sdelay $0x4  }
0x141: {  	v0 =	vshrl.u32 @!p0 v0, $0x2  }
0x142: {  	[tilespmem:$0x64A0] =	vst @!p0 v0  }
0x143: {  	v0 =	vld @!p0 [tilespmem:s25+$0x240];
	_ =	sdelay $0x4  }
0x144: {  	v0 =	vshrl.u32 @!p0 v0, $0x2  }
0x145: {  	[tilespmem:$0x64B0] =	vst @!p0 v0  }
0x146: {  	v0 =	vld @!p0 [tilespmem:s25+$0x248];
	_ =	sdelay $0x4  }
0x147: {  	p1 =	seq.s32 @!p0 s24, $0x0;
	s29 =	simm.s32 @!p0 $0x6400;
	v0 =	vshrl.u32 @!p0 v0, $0x2  }
0x148: {  	s30 =	simm.s32 @!p0 $0x6600;
	p1 =	por p0, !p1;
	s28 =	simm.s32 @!p0 $0xC8;
	[tilespmem:$0x64B8] =	vst @!p0 v0  }
0x149: {  	[tilespmem:s30], [sflag:$0x1] =	stream.indirect.gather @!p0 [hbm4b:s3+s28], $0x80, s29, s28, $0xb8;
	[tilespmem:$0x1F600] =	vst v63  }
0x14a: {  	_ =	swait.ge @p1 [sflag:s20], $0x6400  }
0x14b: {  	[sflag:s20] =	ssyncset.done @p1 $0x0  }
0x14c: {  	[sflag:s20] =	ssyncadd.s32 @p1 $0xFFFF9C00  }
0x14d: {  	v0 =	vld [tilespmem:s22+$0x0];
	_ =	sdelay $0x4  }
0x14e: {  	v0 =	vshll.u32 v0, $0x5  }
0x14f: {  	s28 =	simm.s32 $0x0;
	v0 =	vand.u32 $0x60, v0  }
0x150: {  	v0 =	vadd.s32 s28, v0  }
0x151: {  	(v2sf) =	vpush v0, $0x0;
	_ =	sdelay $0xb  }
0x152: {  	(v2sf) =	vpush v0, $0x1;
	_ =	sdelay $0x2  }
0x153: {  	s29 =	spop (v2sf)  }
0x154: {  	v1 =	vld [tilespmem:s29+$0xCA00];
	_ =	sdelay $0x4  }
0x155: {  	[tilespmem:s28+$0x19200] =	vst v1  }
0x156: {  	v1 =	vld [tilespmem:s29+$0xCA10];
	_ =	sdelay $0x1  }
0x157: {  	(v2sf) =	vpush v0, $0x2;
	_ =	sdelay $0x2  }
0x158: {  	s29 =	spop (v2sf);
	[tilespmem:s28+$0x19210] =	vst v1  }
0x159: {  	v1 =	vld [tilespmem:s29+$0xCA80];
	_ =	sdelay $0x4  }
0x15a: {  	[tilespmem:s28+$0x19280] =	vst v1  }
0x15b: {  	v1 =	vld [tilespmem:s29+$0xCA90];
	_ =	sdelay $0x1  }
0x15c: {  	(v2sf) =	vpush v0, $0x3;
	_ =	sdelay $0x2  }
0x15d: {  	s29 =	spop (v2sf);
	[tilespmem:s28+$0x19290] =	vst v1  }
0x15e: {  	v1 =	vld [tilespmem:s29+$0xCB00];
	_ =	sdelay $0x4  }
0x15f: {  	[tilespmem:s28+$0x19300] =	vst v1  }
0x160: {  	v1 =	vld [tilespmem:s29+$0xCB10];
	_ =	sdelay $0x1  }
0x161: {  	(v2sf) =	vpush v0, $0x4;
	_ =	sdelay $0x2  }
0x162: {  	s29 =	spop (v2sf);
	[tilespmem:s28+$0x19310] =	vst v1  }
0x163: {  	v1 =	vld [tilespmem:s29+$0xCB80];
	_ =	sdelay $0x4  }
0x164: {  	[tilespmem:s28+$0x19380] =	vst v1  }
0x165: {  	v1 =	vld [tilespmem:s29+$0xCB90];
	_ =	sdelay $0x1  }
0x166: {  	(v2sf) =	vpush v0, $0x5;
	_ =	sdelay $0x2  }
0x167: {  	s29 =	spop (v2sf);
	[tilespmem:s28+$0x19390] =	vst v1  }
0x168: {  	v1 =	vld [tilespmem:s29+$0xCC00];
	_ =	sdelay $0x4  }
0x169: {  	[tilespmem:s28+$0x19400] =	vst v1  }
0x16a: {  	v1 =	vld [tilespmem:s29+$0xCC10];
	_ =	sdelay $0x1  }
0x16b: {  	(v2sf) =	vpush v0, $0x6;
	_ =	sdelay $0x2  }
0x16c: {  	s29 =	spop (v2sf);
	[tilespmem:s28+$0x19410] =	vst v1  }
0x16d: {  	v1 =	vld [tilespmem:s29+$0xCC80];
	_ =	sdelay $0x4  }
0x16e: {  	[tilespmem:s28+$0x19480] =	vst v1  }
0x16f: {  	v1 =	vld [tilespmem:s29+$0xCC90];
	_ =	sdelay $0x1  }
0x170: {  	(v2sf) =	vpush v0, $0x7;
	_ =	sdelay $0x2  }
0x171: {  	s29 =	spop (v2sf);
	[tilespmem:s28+$0x19490] =	vst v1  }
0x172: {  	v1 =	vld [tilespmem:s29+$0xCD00];
	_ =	sdelay $0x4  }
0x173: {  	[tilespmem:s28+$0x19500] =	vst v1  }
0x174: {  	v1 =	vld [tilespmem:s29+$0xCD10];
	_ =	sdelay $0x1  }
0x175: {  	(v2sf) =	vpush v0, $0x8;
	_ =	sdelay $0x2  }
0x176: {  	s29 =	spop (v2sf);
	[tilespmem:s28+$0x19510] =	vst v1  }
0x177: {  	v1 =	vld [tilespmem:s29+$0xCD80];
	_ =	sdelay $0x4  }
0x178: {  	[tilespmem:s28+$0x19580] =	vst v1  }
0x179: {  	v1 =	vld [tilespmem:s29+$0xCD90];
	_ =	sdelay $0x1  }
0x17a: {  	(v2sf) =	vpush v0, $0x9;
	_ =	sdelay $0x2  }
0x17b: {  	s29 =	spop (v2sf);
	[tilespmem:s28+$0x19590] =	vst v1  }
0x17c: {  	v1 =	vld [tilespmem:s29+$0xCE00];
	_ =	sdelay $0x4  }
0x17d: {  	[tilespmem:s28+$0x19600] =	vst v1  }
0x17e: {  	v1 =	vld [tilespmem:s29+$0xCE10];
	_ =	sdelay $0x1  }
0x17f: {  	(v2sf) =	vpush v0, $0xA;
	_ =	sdelay $0x2  }
0x180: {  	s29 =	spop (v2sf);
	[tilespmem:s28+$0x19610] =	vst v1  }
0x181: {  	v1 =	vld [tilespmem:s29+$0xCE80];
	_ =	sdelay $0x4  }
0x182: {  	[tilespmem:s28+$0x19680] =	vst v1  }
0x183: {  	v1 =	vld [tilespmem:s29+$0xCE90];
	_ =	sdelay $0x1  }
0x184: {  	(v2sf) =	vpush v0, $0xB;
	_ =	sdelay $0x2  }
0x185: {  	s29 =	spop (v2sf);
	[tilespmem:s28+$0x19690] =	vst v1  }
0x186: {  	v1 =	vld [tilespmem:s29+$0xCF00];
	_ =	sdelay $0x4  }
0x187: {  	[tilespmem:s28+$0x19700] =	vst v1  }
0x188: {  	v1 =	vld [tilespmem:s29+$0xCF10];
	_ =	sdelay $0x1  }
0x189: {  	(v2sf) =	vpush v0, $0xC;
	_ =	sdelay $0x2  }
0x18a: {  	s29 =	spop (v2sf);
	[tilespmem:s28+$0x19710] =	vst v1  }
0x18b: {  	v1 =	vld [tilespmem:s29+$0xCF80];
	_ =	sdelay $0x4  }
0x18c: {  	[tilespmem:s28+$0x19780] =	vst v1  }
0x18d: {  	v1 =	vld [tilespmem:s29+$0xCF90];
	_ =	sdelay $0x1  }
0x18e: {  	(v2sf) =	vpush v0, $0xD;
	_ =	sdelay $0x2  }
0x18f: {  	s29 =	spop (v2sf);
	[tilespmem:s28+$0x19790] =	vst v1  }
0x190: {  	v1 =	vld [tilespmem:s29+$0xD000];
	_ =	sdelay $0x4  }
0x191: {  	[tilespmem:s28+$0x19800] =	vst v1  }
0x192: {  	v1 =	vld [tilespmem:s29+$0xD010];
	_ =	sdelay $0x1  }
0x193: {  	(v2sf) =	vpush v0, $0xE;
	_ =	sdelay $0x2  }
0x194: {  	s29 =	spop (v2sf);
	[tilespmem:s28+$0x19810] =	vst v1  }
0x195: {  	v1 =	vld [tilespmem:s29+$0xD080];
	_ =	sdelay $0x4  }
0x196: {  	[tilespmem:s28+$0x19880] =	vst v1  }
0x197: {  	v1 =	vld [tilespmem:s29+$0xD090];
	_ =	sdelay $0x1  }
0x198: {  	(v2sf) =	vpush v0, $0xF;
	_ =	sdelay $0x2  }
0x199: {  	s29 =	spop (v2sf);
	[tilespmem:s28+$0x19890] =	vst v1  }
0x19a: {  	v0 =	vld [tilespmem:s29+$0xD100];
	_ =	sdelay $0x4  }
0x19b: {  	[tilespmem:s28+$0x19900] =	vst v0  }
0x19c: {  	v0 =	vld [tilespmem:s29+$0xD110];
	_ =	sdelay $0x4  }
0x19d: {  	s31 =	spop (v2sf);
	[tilespmem:s28+$0x19910] =	vst v0  }
0x19e: {  	v0 =	vld [tilespmem:s31+$0xD180];
	_ =	sdelay $0x2  }
0x19f: {  	s26 =	sor.u32 $0x1, s26  }
0x1a0: {  	s29 =	smul.u32 $0x320, s26  }
0x1a1: {  	[tilespmem:s28+$0x19980] =	vst v0  }
0x1a2: {  	s30 =	simm.s32 $0x2000;
	s29 =	sshra.s32 s29, $0x2;
	v0 =	vld [tilespmem:s31+$0xD190];
	s31 =	smov.u32 s22  }
.LBB2_5:
0x1a3: {  	_ =	sdelay $0x2  }
0x1a4: {  	p1 =	sne.s32 s30, $0x16000  }
0x1a5: {  	s31 =	sadd.s32 $0x10, s31;
	[tilespmem:s28+$0x19990] =	vst v0;
	s28 =	smov.u32 s30;
	s30 =	sadd.s32 $0x2000, s30  }
0x1a6: {  	v0 =	vld [tilespmem:s31+$0x0];
	_ =	sdelay $0x4  }
0x1a7: {  	v0 =	vshll.u32 v0, $0x5  }
0x1a8: {  	s28 =	sshra.s32 s28, $0x2;
	v0 =	vand.u32 $0x60, v0  }
0x1a9: {  	v0 =	vadd.s32 s28, v0  }
0x1aa: {  	(v2sf) =	vpush v0, $0x0;
	_ =	sdelay $0xb  }
0x1ab: {  	(v2sf) =	vpush v0, $0x1;
	_ =	sdelay $0x2  }
0x1ac: {  	s0 =	spop (v2sf)  }
0x1ad: {  	v1 =	vld [tilespmem:s0+$0xCA00];
	_ =	sdelay $0x4  }
0x1ae: {  	[tilespmem:s28+$0x19200] =	vst v1  }
0x1af: {  	v1 =	vld [tilespmem:s0+$0xCA10];
	_ =	sdelay $0x1  }
0x1b0: {  	(v2sf) =	vpush v0, $0x2;
	_ =	sdelay $0x2  }
0x1b1: {  	[tilespmem:s28+$0x19210] =	vst v1;
	s0 =	spop (v2sf)  }
0x1b2: {  	v1 =	vld [tilespmem:s0+$0xCA80];
	_ =	sdelay $0x4  }
0x1b3: {  	[tilespmem:s28+$0x19280] =	vst v1  }
0x1b4: {  	v1 =	vld [tilespmem:s0+$0xCA90];
	_ =	sdelay $0x1  }
0x1b5: {  	(v2sf) =	vpush v0, $0x3;
	_ =	sdelay $0x2  }
0x1b6: {  	[tilespmem:s28+$0x19290] =	vst v1;
	s0 =	spop (v2sf)  }
0x1b7: {  	v1 =	vld [tilespmem:s0+$0xCB00];
	_ =	sdelay $0x4  }
0x1b8: {  	[tilespmem:s28+$0x19300] =	vst v1  }
0x1b9: {  	v1 =	vld [tilespmem:s0+$0xCB10];
	_ =	sdelay $0x1  }
0x1ba: {  	(v2sf) =	vpush v0, $0x4;
	_ =	sdelay $0x2  }
0x1bb: {  	[tilespmem:s28+$0x19310] =	vst v1;
	s0 =	spop (v2sf)  }
0x1bc: {  	v1 =	vld [tilespmem:s0+$0xCB80];
	_ =	sdelay $0x4  }
0x1bd: {  	[tilespmem:s28+$0x19380] =	vst v1  }
0x1be: {  	v1 =	vld [tilespmem:s0+$0xCB90];
	_ =	sdelay $0x1  }
0x1bf: {  	(v2sf) =	vpush v0, $0x5;
	_ =	sdelay $0x2  }
0x1c0: {  	[tilespmem:s28+$0x19390] =	vst v1;
	s0 =	spop (v2sf)  }
0x1c1: {  	v1 =	vld [tilespmem:s0+$0xCC00];
	_ =	sdelay $0x4  }
0x1c2: {  	[tilespmem:s28+$0x19400] =	vst v1  }
0x1c3: {  	v1 =	vld [tilespmem:s0+$0xCC10];
	_ =	sdelay $0x1  }
0x1c4: {  	(v2sf) =	vpush v0, $0x6;
	_ =	sdelay $0x2  }
0x1c5: {  	[tilespmem:s28+$0x19410] =	vst v1;
	s0 =	spop (v2sf)  }
0x1c6: {  	v1 =	vld [tilespmem:s0+$0xCC80];
	_ =	sdelay $0x4  }
0x1c7: {  	[tilespmem:s28+$0x19480] =	vst v1  }
0x1c8: {  	v1 =	vld [tilespmem:s0+$0xCC90];
	_ =	sdelay $0x1  }
0x1c9: {  	(v2sf) =	vpush v0, $0x7;
	_ =	sdelay $0x2  }
0x1ca: {  	[tilespmem:s28+$0x19490] =	vst v1;
	s0 =	spop (v2sf)  }
0x1cb: {  	v1 =	vld [tilespmem:s0+$0xCD00];
	_ =	sdelay $0x4  }
0x1cc: {  	[tilespmem:s28+$0x19500] =	vst v1  }
0x1cd: {  	v1 =	vld [tilespmem:s0+$0xCD10];
	_ =	sdelay $0x1  }
0x1ce: {  	(v2sf) =	vpush v0, $0x8;
	_ =	sdelay $0x2  }
0x1cf: {  	[tilespmem:s28+$0x19510] =	vst v1;
	s0 =	spop (v2sf)  }
0x1d0: {  	v1 =	vld [tilespmem:s0+$0xCD80];
	_ =	sdelay $0x4  }
0x1d1: {  	[tilespmem:s28+$0x19580] =	vst v1  }
0x1d2: {  	v1 =	vld [tilespmem:s0+$0xCD90];
	_ =	sdelay $0x1  }
0x1d3: {  	(v2sf) =	vpush v0, $0x9;
	_ =	sdelay $0x2  }
0x1d4: {  	[tilespmem:s28+$0x19590] =	vst v1;
	s0 =	spop (v2sf)  }
0x1d5: {  	v1 =	vld [tilespmem:s0+$0xCE00];
	_ =	sdelay $0x4  }
0x1d6: {  	[tilespmem:s28+$0x19600] =	vst v1  }
0x1d7: {  	v1 =	vld [tilespmem:s0+$0xCE10];
	_ =	sdelay $0x1  }
0x1d8: {  	(v2sf) =	vpush v0, $0xA;
	_ =	sdelay $0x2  }
0x1d9: {  	[tilespmem:s28+$0x19610] =	vst v1;
	s0 =	spop (v2sf)  }
0x1da: {  	v1 =	vld [tilespmem:s0+$0xCE80];
	_ =	sdelay $0x4  }
0x1db: {  	[tilespmem:s28+$0x19680] =	vst v1  }
0x1dc: {  	v1 =	vld [tilespmem:s0+$0xCE90];
	_ =	sdelay $0x1  }
0x1dd: {  	(v2sf) =	vpush v0, $0xB;
	_ =	sdelay $0x2  }
0x1de: {  	[tilespmem:s28+$0x19690] =	vst v1;
	s0 =	spop (v2sf)  }
0x1df: {  	v1 =	vld [tilespmem:s0+$0xCF00];
	_ =	sdelay $0x4  }
0x1e0: {  	[tilespmem:s28+$0x19700] =	vst v1  }
0x1e1: {  	v1 =	vld [tilespmem:s0+$0xCF10];
	_ =	sdelay $0x1  }
0x1e2: {  	(v2sf) =	vpush v0, $0xC;
	_ =	sdelay $0x2  }
0x1e3: {  	[tilespmem:s28+$0x19710] =	vst v1;
	s0 =	spop (v2sf)  }
0x1e4: {  	v1 =	vld [tilespmem:s0+$0xCF80];
	_ =	sdelay $0x4  }
0x1e5: {  	[tilespmem:s28+$0x19780] =	vst v1  }
0x1e6: {  	v1 =	vld [tilespmem:s0+$0xCF90];
	_ =	sdelay $0x1  }
0x1e7: {  	(v2sf) =	vpush v0, $0xD;
	_ =	sdelay $0x2  }
0x1e8: {  	[tilespmem:s28+$0x19790] =	vst v1;
	s0 =	spop (v2sf)  }
0x1e9: {  	v1 =	vld [tilespmem:s0+$0xD000];
	_ =	sdelay $0x4  }
0x1ea: {  	[tilespmem:s28+$0x19800] =	vst v1  }
0x1eb: {  	v1 =	vld [tilespmem:s0+$0xD010];
	_ =	sdelay $0x1  }
0x1ec: {  	(v2sf) =	vpush v0, $0xE;
	_ =	sdelay $0x2  }
0x1ed: {  	[tilespmem:s28+$0x19810] =	vst v1;
	s0 =	spop (v2sf)  }
0x1ee: {  	v1 =	vld [tilespmem:s0+$0xD080];
	_ =	sdelay $0x4  }
0x1ef: {  	[tilespmem:s28+$0x19880] =	vst v1  }
0x1f0: {  	v1 =	vld [tilespmem:s0+$0xD090];
	_ =	sdelay $0x1  }
0x1f1: {  	(v2sf) =	vpush v0, $0xF;
	_ =	sdelay $0x2  }
0x1f2: {  	[tilespmem:s28+$0x19890] =	vst v1;
	s0 =	spop (v2sf)  }
0x1f3: {  	v0 =	vld [tilespmem:s0+$0xD100];
	_ =	sdelay $0x4  }
0x1f4: {  	[tilespmem:s28+$0x19900] =	vst v0  }
0x1f5: {  	v0 =	vld [tilespmem:s0+$0xD110];
	_ =	sdelay $0x4  }
0x1f6: {  	[tilespmem:s28+$0x19910] =	vst v0;
	s0 =	spop (v2sf)  }
0x1f7: {  	v0 =	vld [tilespmem:s0+$0xD180];
	_ =	sdelay $0x1  }
.Ltmp1:
0x1f8: {  	(pc) =	sbr.rel @p1 .LBB2_5-.Ltmp1, $3  }
0x1f9: {  	_ =	sdelay $0x1  }
0x1fa: {  	[tilespmem:s28+$0x19980] =	vst v0  }
0x1fb: {  	v0 =	vld [tilespmem:s0+$0xD190]  }
0x1fc: {  	_ =	sdelay $0x3  }
0x1fd: {  	[tilespmem:s28+$0x19990] =	vst v0  }
0x1fe: {  	v0 =	vld [tilespmem:s29+$0xB8];
	_ =	sdelay $0x4  }
0x1ff: {  	v0 =	vshll.u32 v0, $0x5  }
0x200: {  	v0 =	vand.u32 $0x60, v0  }
0x201: {  	(v2sf) =	vpush v0, $0x8;
	_ =	sdelay $0xb  }
0x202: {  	(v2sf) =	vpush v0, $0x9;
	_ =	sdelay $0x2  }
0x203: {  	s0 =	spop (v2sf)  }
0x204: {  	v1 =	vld [tilespmem:s0+$0x12A00];
	_ =	sdelay $0x4  }
0x205: {  	[tilespmem:$0x1F200] =	vst v1  }
0x206: {  	v1 =	vld [tilespmem:s0+$0x12A10];
	_ =	sdelay $0x1  }
0x207: {  	(v2sf) =	vpush v0, $0xA;
	_ =	sdelay $0x2  }
0x208: {  	s28 =	spop (v2sf);
	[tilespmem:$0x1F210] =	vst v1  }
0x209: {  	v1 =	vld [tilespmem:s28+$0x12A80];
	_ =	sdelay $0x4  }
0x20a: {  	[tilespmem:$0x1F280] =	vst v1  }
0x20b: {  	v1 =	vld [tilespmem:s28+$0x12A90];
	_ =	sdelay $0x1  }
0x20c: {  	(v2sf) =	vpush v0, $0xB;
	_ =	sdelay $0x2  }
0x20d: {  	s29 =	spop (v2sf);
	[tilespmem:$0x1F290] =	vst v1  }
0x20e: {  	v1 =	vld [tilespmem:s29+$0x12B00];
	_ =	sdelay $0x4  }
0x20f: {  	[tilespmem:$0x1F300] =	vst v1  }
0x210: {  	v1 =	vld [tilespmem:s29+$0x12B10];
	_ =	sdelay $0x1  }
0x211: {  	(v2sf) =	vpush v0, $0xC;
	_ =	sdelay $0x2  }
0x212: {  	s30 =	spop (v2sf);
	[tilespmem:$0x1F310] =	vst v1  }
0x213: {  	v1 =	vld [tilespmem:s30+$0x12B80];
	_ =	sdelay $0x4  }
0x214: {  	[tilespmem:$0x1F380] =	vst v1  }
0x215: {  	v1 =	vld [tilespmem:s30+$0x12B90];
	_ =	sdelay $0x1  }
0x216: {  	(v2sf) =	vpush v0, $0xD;
	_ =	sdelay $0x2  }
0x217: {  	s31 =	spop (v2sf);
	[tilespmem:$0x1F390] =	vst v1  }
0x218: {  	v1 =	vld [tilespmem:s31+$0x12C00];
	_ =	sdelay $0x4  }
0x219: {  	[tilespmem:$0x1F400] =	vst v1  }
0x21a: {  	v1 =	vld [tilespmem:s31+$0x12C10];
	_ =	sdelay $0x1  }
0x21b: {  	(v2sf) =	vpush v0, $0xE;
	_ =	sdelay $0x2  }
0x21c: {  	s28 =	spop (v2sf);
	[tilespmem:$0x1F410] =	vst v1  }
0x21d: {  	v1 =	vld [tilespmem:s28+$0x12C80];
	_ =	sdelay $0x4  }
0x21e: {  	[tilespmem:$0x1F480] =	vst v1  }
0x21f: {  	v1 =	vld [tilespmem:s28+$0x12C90];
	_ =	sdelay $0x1  }
0x220: {  	(v2sf) =	vpush v0, $0xF;
	_ =	sdelay $0x2  }
0x221: {  	s29 =	spop (v2sf);
	[tilespmem:$0x1F490] =	vst v1  }
0x222: {  	v63 =	vld [tilespmem:s29+$0x12D00];
	_ =	sdelay $0x4  }
0x223: {  	[tilespmem:$0x1F500] =	vst v63  }
0x224: {  	v0 =	vld [tilespmem:s29+$0x12D10];
	_ =	sdelay $0x4  }
0x225: {  	s30 =	spop (v2sf);
	[tilespmem:$0x1F510] =	vst v0  }
0x226: {  	v0 =	vld [tilespmem:s30+$0x12D80];
	_ =	sdelay $0x4  }
0x227: {  	[tilespmem:$0x1F580] =	vst v0  }
0x228: {  	v0 =	vld [tilespmem:s30+$0x12D90];
	_ =	sdelay $0x4  }
0x229: {  	[tilespmem:$0x1F590] =	vst v0  }
0x22a: {  	v0 =	vld @!p0 [tilespmem:s25+$0x258];
	_ =	sdelay $0x4  }
0x22b: {  	v0 =	vshrl.u32 @!p0 v0, $0x2  }
0x22c: {  	[tilespmem:$0x6500] =	vst @!p0 v0  }
0x22d: {  	v0 =	vld @!p0 [tilespmem:s25+$0x268];
	_ =	sdelay $0x4  }
0x22e: {  	v0 =	vshrl.u32 @!p0 v0, $0x2  }
0x22f: {  	[tilespmem:$0x6510] =	vst @!p0 v0  }
0x230: {  	v0 =	vld @!p0 [tilespmem:s25+$0x278];
	_ =	sdelay $0x4  }
0x231: {  	v0 =	vshrl.u32 @!p0 v0, $0x2  }
0x232: {  	[tilespmem:$0x6520] =	vst @!p0 v0  }
0x233: {  	v0 =	vld @!p0 [tilespmem:s25+$0x288];
	_ =	sdelay $0x4  }
0x234: {  	v0 =	vshrl.u32 @!p0 v0, $0x2  }
0x235: {  	[tilespmem:$0x6530] =	vst @!p0 v0  }
0x236: {  	v0 =	vld @!p0 [tilespmem:s25+$0x298];
	_ =	sdelay $0x4  }
0x237: {  	v0 =	vshrl.u32 @!p0 v0, $0x2  }
0x238: {  	[tilespmem:$0x6540] =	vst @!p0 v0  }
0x239: {  	v0 =	vld @!p0 [tilespmem:s25+$0x2A8];
	_ =	sdelay $0x4  }
0x23a: {  	v0 =	vshrl.u32 @!p0 v0, $0x2  }
0x23b: {  	[tilespmem:$0x6550] =	vst @!p0 v0  }
0x23c: {  	v0 =	vld @!p0 [tilespmem:s25+$0x2B8];
	_ =	sdelay $0x4  }
0x23d: {  	v0 =	vshrl.u32 @!p0 v0, $0x2  }
0x23e: {  	[tilespmem:$0x6560] =	vst @!p0 v0  }
0x23f: {  	v0 =	vld @!p0 [tilespmem:s25+$0x2C8];
	_ =	sdelay $0x4  }
0x240: {  	v0 =	vshrl.u32 @!p0 v0, $0x2  }
0x241: {  	[tilespmem:$0x6570] =	vst @!p0 v0  }
0x242: {  	v0 =	vld @!p0 [tilespmem:s25+$0x2D8];
	_ =	sdelay $0x4  }
0x243: {  	v0 =	vshrl.u32 @!p0 v0, $0x2  }
0x244: {  	[tilespmem:$0x6580] =	vst @!p0 v0  }
0x245: {  	v0 =	vld @!p0 [tilespmem:s25+$0x2E8];
	_ =	sdelay $0x4  }
0x246: {  	v0 =	vshrl.u32 @!p0 v0, $0x2  }
0x247: {  	[tilespmem:$0x6590] =	vst @!p0 v0  }
0x248: {  	v0 =	vld @!p0 [tilespmem:s25+$0x2F8];
	_ =	sdelay $0x4  }
0x249: {  	v0 =	vshrl.u32 @!p0 v0, $0x2  }
0x24a: {  	[tilespmem:$0x65A0] =	vst @!p0 v0  }
0x24b: {  	v0 =	vld @!p0 [tilespmem:s25+$0x308];
	_ =	sdelay $0x4  }
0x24c: {  	v0 =	vshrl.u32 @!p0 v0, $0x2  }
0x24d: {  	[tilespmem:$0x65B0] =	vst @!p0 v0  }
0x24e: {  	v0 =	vld @!p0 [tilespmem:s25+$0x310];
	_ =	sdelay $0x4  }
0x24f: {  	s24 =	sadd.s32 $0x1, s24;
	s31 =	sshll.u32 s26, $0x2;
	v0 =	vshrl.u32 @!p0 v0, $0x2  }
0x250: {  	s26 =	simm.s32 @!p0 $0x6500;
	s28 =	simm.s32 @!p0 $0xCA00;
	s25 =	simm.s32 @!p0 $0xC8;
	[tilespmem:$0x65B8] =	vst @!p0 v0  }
0x251: {  	[tilespmem:s28], [sflag:$0x2] =	stream.indirect.gather @!p0 [hbm4b:s3+s25], $0x80, s26, s25, $0xb8;
	[tilespmem:$0x1F600] =	vst v63  }
0x252: {  	p0 =	sne.s32 s24, $0x40  }
.Ltmp2:
0x253: {  	s0 =	sadd.s32 s5, s31;
	(pc) =	sbr.rel @p0 .LBB2_2-.Ltmp2, $3  }
0x254: {  	s0 =	smul.u32 $0x380, s0;
	_ =	sdelay $0x1  }
0x255: {  	s23 =	sadd.s32 $0x190, s23;
	s22 =	sadd.s32 $0x190, s22;
	s0 =	sadd.s32 s4, s0  }
0x256: {  	[hbm4b:s0+s14] =	stream.strided.scatter [tilespmem:s18], [sflag:$0x4], $0x6400, s15, s14, $0x38;
	[tilespmem:$0x1F600] =	vst v63  }
0x257: {  	s21 =	sadd.s32 $0x1, s21  }
0x258: {  	_ =	swait.ge [sflag:s19], $0x6400;
	p0 =	sne.s32 s21, s7  }
.Ltmp3:
0x259: {  	[sflag:s19] =	ssyncset.done $0x0;
	(pc) =	sbr.rel @p0 .LBB2_1-.Ltmp3, $4  }
0x25a: {  	[sflag:s19] =	ssyncadd.s32 $0xFFFF9C00  }
0x25b: {  	_ =	swait.ge [sflag:s20], $0x6400  }
0x25c: {  	[sflag:s20] =	ssyncset.done $0x0  }
0x25d: {  	[sflag:s20] =	ssyncadd.s32 $0xFFFF9C00  }
0x25e: {  	_ =	sfence.sel $0x180000  }
0x25f: {  	[bflag:$0x0] =	sbarrier.arrive $0xFFFF  }
0x260: {  	_ =	strace $0x90000047  }
0x261: {  	[bflag:$0x2] =	sbarrier.arrive $0xFFFF  }
0x262: {  	p0 =	sne.s32 s1, $0x0;
	s0 =	rddreg [dreg:$0x2]  }
0x263: {  	s0 =	sadd.s32 @!p0 $0x100000, s0  }
0x264: {  	[sflag:s0] =	ssyncadd.tile.s32 @!p0 $0x1;
	_ =	shalt  }
.Lfunc_end2:
_tile_overlayer_lowered:
.L_overlay_start_2:
0x265: {  	(tag) =	ssettag $0x2  }
0x266: {  	s0 =	rddreg [dreg:$0x0];
	s2 =	stileid.u32  }
0x267: {  	s1 =	rddreg [dreg:$0x1];
	p0 =	sne.s32 s2, $0x0  }
0x268: {  	s3 =	rddreg [dreg:$0x2];
	[bflag:$0x3] =	sbarrier.arrive $0xFFFF;
	s2 =	simm.s32 @!p0 $0x1C05  }
0x269: {  	[timem:s3], [sflag:s2] =	dma.local @!p0 [hbm:s0], s1  }
0x26a: {  	s0 =	simm.s32 @!p0 $0x5  }
0x26b: {  	_ =	swait.ge @!p0 [sflag:s0], s1  }
0x26c: {  	s1 =	ssub.s32 @!p0 $0x0, s1;
	[sflag:s0] =	ssyncset.done @!p0 $0x0  }
0x26d: {  	[sflag:s0] =	ssyncadd.s32 @!p0 s1  }
0x26e: {  	[bflag:$0x3] =	sbarrier.arrive $0xFFFF  }
0x26f: {  	_ =	shalt  }

</sc_bundles>
